<compile_context>
chip_gen: v7x
topology: tpu7x:2x2x1
jax: 0.10.2.dev20260603
libtpu: 0.0.44.dev20260713+nightly
codegen_flags: <defaults>
</compile_context>

<pallas_src>
import functools

import jax
import jax.numpy as jnp
from jax import lax
from jax.experimental import pallas as pl
from jax.experimental.pallas import tpu as pltpu
from jax.experimental.pallas import tpu_sc as plsc

_NUM_CORES = 2
_NUM_SUBCORES = 16
_NUM_WORKERS = _NUM_CORES * _NUM_SUBCORES

_CHUNK = 200
_NBUF = 4
_INFLIGHT = 2


@jax.jit
def _sc_gather(ids, tab):
  bsz, seq = ids.shape
  dim = tab.shape[1]
  b_per_w = bsz // _NUM_WORKERS
  halves = seq // _CHUNK
  n_chunks = b_per_w * halves
  mesh = plsc.VectorSubcoreMesh(core_axis_name="c", subcore_axis_name="s")

  @functools.partial(
      pl.kernel,
      mesh=mesh,
      compiler_params=pltpu.CompilerParams(use_tc_tiling_on_sc=False),
      out_type=jax.ShapeDtypeStruct((bsz, seq, dim), jnp.float32),
      scratch_types=[
          pltpu.VMEM((b_per_w, seq), jnp.int32),
          *[pltpu.VMEM((_CHUNK, dim), jnp.float32) for _ in range(_NBUF)],
          *[pltpu.SemaphoreType.DMA for _ in range(2 * _NBUF)],
      ],
  )
  def k(ids_hbm, tab_hbm, out_hbm, idx_v, *bufs_and_sems):
    bufs = bufs_and_sems[:_NBUF]
    gsems = bufs_and_sems[_NBUF:2 * _NBUF]
    ssems = bufs_and_sems[2 * _NBUF:]
    wid = lax.axis_index("s") * _NUM_CORES + lax.axis_index("c")
    b0 = wid * b_per_w
    pltpu.sync_copy(ids_hbm.at[pl.ds(b0, b_per_w)], idx_v)

    def idx_ref(t):
      return idx_v.at[t // halves, pl.ds((t % halves) * _CHUNK, _CHUNK)]

    def out_ref(t):
      return out_hbm.at[b0 + t // halves, pl.ds((t % halves) * _CHUNK, _CHUNK)]

    def start_gather(t, kbuf):
      pltpu.async_copy(tab_hbm.at[idx_ref(t)], bufs[kbuf], gsems[kbuf])

    def wait_gather(t, kbuf):
      pltpu.make_async_copy(
          tab_hbm.at[idx_ref(t)], bufs[kbuf], gsems[kbuf]).wait()

    def start_store(t, kbuf):
      pltpu.async_copy(bufs[kbuf], out_ref(t), ssems[kbuf])

    def wait_store(t, kbuf):
      pltpu.make_async_copy(bufs[kbuf], out_ref(t), ssems[kbuf]).wait()

    for t in range(_INFLIGHT):
      start_gather(t, t % _NBUF)

    def body(i, carry):
      for kk in range(_NBUF):
        t = _NBUF * i + kk
        wait_gather(t, kk)
        start_store(t, kk)
        tg = t + _INFLIGHT
        kg = (kk + _INFLIGHT) % _NBUF

        @pl.when(jnp.logical_and(tg >= _NBUF, tg < n_chunks))
        def _():
          wait_store(tg - _NBUF, kg)
          start_gather(tg, kg)

        @pl.when(jnp.logical_and(tg < _NBUF, tg < n_chunks))
        def _():
          start_gather(tg, kg)

      return carry

    lax.fori_loop(0, n_chunks // _NBUF, body, 0)
    for kk in range(_NBUF):
      t = n_chunks - _NBUF + kk
      wait_store(t, kk)

  return k(ids, tab)


def kernel(input_ids, table):
  return _sc_gather(input_ids.astype(jnp.int32), table)

# --- scband reference (transcript-rebuilt; emitter-appended) ---
"""Pipeline reference for scband-token-base-embedding-13451837571322 (READ-ONLY COPY).

The authoritative reference and input builder live on the scoring server;
editing this copy changes nothing except your own understanding.
"""

import jax, jax.numpy as jnp
import numpy as np

VOCAB = 1000000
DIM = 64
BATCH = 4096
SEQ = 200

def setup_inputs(seed: int = 0) -> dict:
    key = jax.random.key(seed)
    k1, k2 = jax.random.split(key)
    input_ids = jax.random.randint(k1, (BATCH, SEQ), 0, VOCAB, dtype=jnp.int64 if jax.config.jax_enable_x64 else jnp.int32)
    table = jax.random.normal(k2, (VOCAB, DIM), dtype=jnp.float32) * 0.02
    return {"input_ids": input_ids, "table": table}

def reference(input_ids, table):
    # TokenBaseEmbedding with all optional sub-modules None:
    # embeddings = self.embeddings(input_ids)
    embeddings = jnp.take(table, input_ids, axis=0)
    return embeddings

if __name__ == "__main__":
    import jax
    _d = setup_inputs()
    print(jax.jit(kernel)(*tuple(_d.values())))

</pallas_src>

<mosaic_0001>
#map = affine_map<(d0, d1) -> (0, 0)>
#map1 = affine_map<(d0, d1) -> (0, 0, 0)>
module attributes {stable_mosaic.version = 14 : i64} {
  func.func @k(%arg0: i32, %arg1: i32, %arg2: memref<4096x200xi32, #tpu.memory_space<hbm>>, %arg3: memref<1000000x64xf32, #tpu.memory_space<hbm>>, %arg4: memref<4096x200x64xf32, #tpu.memory_space<hbm>>, %arg5: memref<128x200xi32, #tpu.memory_space<vmem>>, %arg6: memref<200x64xf32, #tpu.memory_space<vmem>>, %arg7: memref<200x64xf32, #tpu.memory_space<vmem>>, %arg8: memref<200x64xf32, #tpu.memory_space<vmem>>, %arg9: memref<200x64xf32, #tpu.memory_space<vmem>>, %arg10: memref<!tpu.dma_semaphore, #tpu.memory_space<semaphore_mem>>, %arg11: memref<!tpu.dma_semaphore, #tpu.memory_space<semaphore_mem>>, %arg12: memref<!tpu.dma_semaphore, #tpu.memory_space<semaphore_mem>>, %arg13: memref<!tpu.dma_semaphore, #tpu.memory_space<semaphore_mem>>, %arg14: memref<!tpu.dma_semaphore, #tpu.memory_space<semaphore_mem>>, %arg15: memref<!tpu.dma_semaphore, #tpu.memory_space<semaphore_mem>>, %arg16: memref<!tpu.dma_semaphore, #tpu.memory_space<semaphore_mem>>, %arg17: memref<!tpu.dma_semaphore, #tpu.memory_space<semaphore_mem>>) attributes {dimension_semantics = [#tpu.dimension_semantics<core_parallel>, #tpu.dimension_semantics<subcore_parallel>], iteration_bounds = array<i64: 2, 16>, scalar_prefetch = 0 : i64, scratch_operands = 13 : i64, tpu.core_type = #tpu.core_type<sc_vector_subcore>, window_params = [{transform_indices = #map}, {transform_indices = #map}, {transform_indices = #map1}]} {
    %mul3A = arith.constant 2 : i32
    %mul3A_0 = arith.muli %arg1, %mul3A : i32
    %add3A = arith.addi %mul3A_0, %arg0 : i32
    %mul3A_1 = arith.constant 128 : i32
    %mul3A_2 = arith.muli %add3A, %mul3A_1 : i32
    "tpu.region"() ({
      %run_scoped3A = tpu.sem_alloc : memref<!tpu.dma_semaphore, #tpu.memory_space<semaphore_mem>>
      %dma_start3A_60 = arith.constant 0 : i32
      %dma_start3A_61 = tpu.memref_slice %arg2[%mul3A_2, %dma_start3A_60] : memref<4096x200xi32, #tpu.memory_space<hbm>> -> memref<128x200xi32, #tpu.memory_space<hbm>>
      %dma_start3A_62 = arith.constant 0 : i32
      %dma_start3A_63 = tpu.memref_slice %arg2[%mul3A_2, %dma_start3A_62] : memref<4096x200xi32, #tpu.memory_space<hbm>> -> memref<128x200xi32, #tpu.memory_space<hbm>>
      tpu.enqueue_dma source(%dma_start3A_63 : memref<128x200xi32, #tpu.memory_space<hbm>>) target(%arg5 : memref<128x200xi32, #tpu.memory_space<vmem>>) target_semaphore(%run_scoped3A : memref<!tpu.dma_semaphore, #tpu.memory_space<semaphore_mem>>)
      %dma_wait3A_64 = arith.constant 0 : i32
      %dma_wait3A_65 = tpu.memref_slice %arg2[%mul3A_2, %dma_wait3A_64] : memref<4096x200xi32, #tpu.memory_space<hbm>> -> memref<128x200xi32, #tpu.memory_space<hbm>>
      %dma_wait3A_66 = arith.constant 0 : i32
      %dma_wait3A_67 = tpu.memref_slice %arg2[%mul3A_2, %dma_wait3A_66] : memref<4096x200xi32, #tpu.memory_space<hbm>> -> memref<128x200xi32, #tpu.memory_space<hbm>>
      tpu.wait_dma2 semaphore(%run_scoped3A : memref<!tpu.dma_semaphore, #tpu.memory_space<semaphore_mem>>) src(%dma_wait3A_67 : memref<128x200xi32, #tpu.memory_space<hbm>>) dst(%arg5 : memref<128x200xi32, #tpu.memory_space<vmem>>)
      tpu.yield
    }) : () -> ()
    %dma_start3A = arith.constant 0 : i32
    %dma_start3A_3 = arith.constant 0 : i32
    %dma_start3A_4 = tpu.memref_slice %arg5[%dma_start3A, %dma_start3A_3] : memref<128x200xi32, #tpu.memory_space<vmem>> -> memref<1x200xi32, #tpu.memory_space<vmem>>
    %dma_start3A_5 = tpu.memref_squeeze %dma_start3A_4 : memref<1x200xi32, #tpu.memory_space<vmem>> -> memref<200xi32, #tpu.memory_space<vmem>>
    %dma_start3A_6 = arith.constant 0 : i32
    %dma_start3A_7 = arith.constant 0 : i32
    %dma_start3A_8 = tpu.memref_slice %arg3[%dma_start3A_6, %dma_start3A_7] : memref<1000000x64xf32, #tpu.memory_space<hbm>> -> memref<1000000x64xf32, #tpu.memory_space<hbm>>
    tpu.enqueue_indirect_dma source(%dma_start3A_8 : memref<1000000x64xf32, #tpu.memory_space<hbm>>) target(%arg6 : memref<200x64xf32, #tpu.memory_space<vmem>>) offsets(%dma_start3A_5 : memref<200xi32, #tpu.memory_space<vmem>>) semaphore(%arg10 : memref<!tpu.dma_semaphore, #tpu.memory_space<semaphore_mem>>)
    %dma_start3A_9 = arith.constant 1 : i32
    %dma_start3A_10 = arith.constant 0 : i32
    %dma_start3A_11 = tpu.memref_slice %arg5[%dma_start3A_9, %dma_start3A_10] : memref<128x200xi32, #tpu.memory_space<vmem>> -> memref<1x200xi32, #tpu.memory_space<vmem>>
    %dma_start3A_12 = tpu.memref_squeeze %dma_start3A_11 : memref<1x200xi32, #tpu.memory_space<vmem>> -> memref<200xi32, #tpu.memory_space<vmem>>
    %dma_start3A_13 = arith.constant 0 : i32
    %dma_start3A_14 = arith.constant 0 : i32
    %dma_start3A_15 = tpu.memref_slice %arg3[%dma_start3A_13, %dma_start3A_14] : memref<1000000x64xf32, #tpu.memory_space<hbm>> -> memref<1000000x64xf32, #tpu.memory_space<hbm>>
    tpu.enqueue_indirect_dma source(%dma_start3A_15 : memref<1000000x64xf32, #tpu.memory_space<hbm>>) target(%arg7 : memref<200x64xf32, #tpu.memory_space<vmem>>) offsets(%dma_start3A_12 : memref<200xi32, #tpu.memory_space<vmem>>) semaphore(%arg11 : memref<!tpu.dma_semaphore, #tpu.memory_space<semaphore_mem>>)
    %scan3A = arith.constant 0 : i32
    %scan3A_16 = arith.constant 0 : i32
    %scan3A_17 = arith.constant 32 : i32
    %scan3A_18 = arith.addi %scan3A_16, %scan3A_17 : i32
    %scan3A_19 = arith.constant 1 : i32
    scf.for %scan3A_60 = %scan3A_16 to %scan3A_18 step %scan3A_19  : i32 {
      %mul3A_61 = arith.constant 4 : i32
      %mul3A_62 = arith.muli %mul3A_61, %scan3A_60 : i32
      %add3A_63 = arith.constant 0 : i32
      %add3A_64 = arith.addi %mul3A_62, %add3A_63 : i32
      %jit3A = arith.constant 1 : i32
      %div3A = arith.divsi %add3A_64, %jit3A : i32
      %sign3A = arith.constant 0 : i32
      %sign3A_65 = arith.cmpi sgt, %add3A_64, %sign3A : i32
      %sign3A_66 = arith.extui %sign3A_65 : i1 to i32
      %sign3A_67 = arith.constant 0 : i32
      %sign3A_68 = arith.cmpi slt, %add3A_64, %sign3A_67 : i32
      %sign3A_69 = arith.extui %sign3A_68 : i1 to i32
      %sign3A_70 = arith.subi %sign3A_66, %sign3A_69 : i32
      %sign3A_71 = arith.constant 0 : i32
      %sign3A_72 = arith.cmpi sgt, %jit3A, %sign3A_71 : i32
      %sign3A_73 = arith.extui %sign3A_72 : i1 to i32
      %sign3A_74 = arith.constant 0 : i32
      %sign3A_75 = arith.cmpi slt, %jit3A, %sign3A_74 : i32
      %sign3A_76 = arith.extui %sign3A_75 : i1 to i32
      %sign3A_77 = arith.subi %sign3A_73, %sign3A_76 : i32
      %ne3A = arith.cmpi ne, %sign3A_70, %sign3A_77 : i32
      %rem3A = arith.remsi %add3A_64, %jit3A : i32
      %ne3A_78 = arith.constant 0 : i32
      %ne3A_79 = arith.cmpi ne, %rem3A, %ne3A_78 : i32
      %and3A = arith.andi %ne3A, %ne3A_79 : i1
      %sub3A = arith.constant 1 : i32
      %sub3A_80 = arith.subi %div3A, %sub3A : i32
      %select_n3A = arith.select %and3A, %sub3A_80, %div3A : i32
      %jit3A_81 = arith.constant 1 : i32
      %eq3A = arith.constant 0 : i32
      %eq3A_82 = arith.cmpi eq, %jit3A_81, %eq3A : i32
      %jit3A_83 = arith.constant 1 : i32
      %select_n3A_84 = arith.select %eq3A_82, %jit3A_83, %jit3A_81 : i32
      %rem3A_85 = arith.remsi %add3A_64, %select_n3A_84 : i32
      %ne3A_86 = arith.constant 0 : i32
      %ne3A_87 = arith.cmpi ne, %rem3A_85, %ne3A_86 : i32
      %lt3A = arith.constant 0 : i32
      %lt3A_88 = arith.cmpi slt, %rem3A_85, %lt3A : i32
      %lt3A_89 = arith.constant 0 : i32
      %lt3A_90 = arith.cmpi slt, %select_n3A_84, %lt3A_89 : i32
      %ne3A_91 = arith.xori %lt3A_88, %lt3A_90 : i1
      %and3A_92 = arith.andi %ne3A_91, %ne3A_87 : i1
      %add3A_93 = arith.addi %rem3A_85, %select_n3A_84 : i32
      %select_n3A_94 = arith.select %and3A_92, %add3A_93, %rem3A_85 : i32
      %mul3A_95 = arith.constant 200 : i32
      %mul3A_96 = arith.muli %select_n3A_94, %mul3A_95 : i32
      %dma_wait3A_97 = tpu.memref_slice %arg5[%select_n3A, %mul3A_96] : memref<128x200xi32, #tpu.memory_space<vmem>> -> memref<1x200xi32, #tpu.memory_space<vmem>>
      %dma_wait3A_98 = tpu.memref_squeeze %dma_wait3A_97 : memref<1x200xi32, #tpu.memory_space<vmem>> -> memref<200xi32, #tpu.memory_space<vmem>>
      %dma_wait3A_99 = arith.constant 0 : i32
      %dma_wait3A_100 = arith.constant 0 : i32
      %dma_wait3A_101 = tpu.memref_slice %arg3[%dma_wait3A_99, %dma_wait3A_100] : memref<1000000x64xf32, #tpu.memory_space<hbm>> -> memref<1000000x64xf32, #tpu.memory_space<hbm>>
      tpu.wait_indirect_dma semaphore(%arg10 : memref<!tpu.dma_semaphore, #tpu.memory_space<semaphore_mem>>) src(%dma_wait3A_101 : memref<1000000x64xf32, #tpu.memory_space<hbm>>) dst(%arg6 : memref<200x64xf32, #tpu.memory_space<vmem>>)
      %jit3A_102 = arith.constant 1 : i32
      %div3A_103 = arith.divsi %add3A_64, %jit3A_102 : i32
      %sign3A_104 = arith.constant 0 : i32
      %sign3A_105 = arith.cmpi sgt, %add3A_64, %sign3A_104 : i32
      %sign3A_106 = arith.extui %sign3A_105 : i1 to i32
      %sign3A_107 = arith.constant 0 : i32
      %sign3A_108 = arith.cmpi slt, %add3A_64, %sign3A_107 : i32
      %sign3A_109 = arith.extui %sign3A_108 : i1 to i32
      %sign3A_110 = arith.subi %sign3A_106, %sign3A_109 : i32
      %sign3A_111 = arith.constant 0 : i32
      %sign3A_112 = arith.cmpi sgt, %jit3A_102, %sign3A_111 : i32
      %sign3A_113 = arith.extui %sign3A_112 : i1 to i32
      %sign3A_114 = arith.constant 0 : i32
      %sign3A_115 = arith.cmpi slt, %jit3A_102, %sign3A_114 : i32
      %sign3A_116 = arith.extui %sign3A_115 : i1 to i32
      %sign3A_117 = arith.subi %sign3A_113, %sign3A_116 : i32
      %ne3A_118 = arith.cmpi ne, %sign3A_110, %sign3A_117 : i32
      %rem3A_119 = arith.remsi %add3A_64, %jit3A_102 : i32
      %ne3A_120 = arith.constant 0 : i32
      %ne3A_121 = arith.cmpi ne, %rem3A_119, %ne3A_120 : i32
      %and3A_122 = arith.andi %ne3A_118, %ne3A_121 : i1
      %sub3A_123 = arith.constant 1 : i32
      %sub3A_124 = arith.subi %div3A_103, %sub3A_123 : i32
      %select_n3A_125 = arith.select %and3A_122, %sub3A_124, %div3A_103 : i32
      %add3A_126 = arith.addi %mul3A_2, %select_n3A_125 : i32
      %jit3A_127 = arith.constant 1 : i32
      %eq3A_128 = arith.constant 0 : i32
      %eq3A_129 = arith.cmpi eq, %jit3A_127, %eq3A_128 : i32
      %jit3A_130 = arith.constant 1 : i32
      %select_n3A_131 = arith.select %eq3A_129, %jit3A_130, %jit3A_127 : i32
      %rem3A_132 = arith.remsi %add3A_64, %select_n3A_131 : i32
      %ne3A_133 = arith.constant 0 : i32
      %ne3A_134 = arith.cmpi ne, %rem3A_132, %ne3A_133 : i32
      %lt3A_135 = arith.constant 0 : i32
      %lt3A_136 = arith.cmpi slt, %rem3A_132, %lt3A_135 : i32
      %lt3A_137 = arith.constant 0 : i32
      %lt3A_138 = arith.cmpi slt, %select_n3A_131, %lt3A_137 : i32
      %ne3A_139 = arith.xori %lt3A_136, %lt3A_138 : i1
      %and3A_140 = arith.andi %ne3A_139, %ne3A_134 : i1
      %add3A_141 = arith.addi %rem3A_132, %select_n3A_131 : i32
      %select_n3A_142 = arith.select %and3A_140, %add3A_141, %rem3A_132 : i32
      %mul3A_143 = arith.constant 200 : i32
      %mul3A_144 = arith.muli %select_n3A_142, %mul3A_143 : i32
      %dma_start3A_145 = arith.constant 0 : i32
      %dma_start3A_146 = tpu.memref_slice %arg4[%add3A_126, %mul3A_144, %dma_start3A_145] : memref<4096x200x64xf32, #tpu.memory_space<hbm>> -> memref<1x200x64xf32, #tpu.memory_space<hbm>>
      %dma_start3A_147 = tpu.memref_squeeze %dma_start3A_146 : memref<1x200x64xf32, #tpu.memory_space<hbm>> -> memref<200x64xf32, #tpu.memory_space<hbm>>
      %dma_start3A_148 = arith.constant 0 : i32
      %dma_start3A_149 = tpu.memref_slice %arg4[%add3A_126, %mul3A_144, %dma_start3A_148] : memref<4096x200x64xf32, #tpu.memory_space<hbm>> -> memref<1x200x64xf32, #tpu.memory_space<hbm>>
      %dma_start3A_150 = tpu.memref_squeeze %dma_start3A_149 : memref<1x200x64xf32, #tpu.memory_space<hbm>> -> memref<200x64xf32, #tpu.memory_space<hbm>>
      tpu.enqueue_dma source(%arg6 : memref<200x64xf32, #tpu.memory_space<vmem>>) target(%dma_start3A_150 : memref<200x64xf32, #tpu.memory_space<hbm>>) target_semaphore(%arg14 : memref<!tpu.dma_semaphore, #tpu.memory_space<semaphore_mem>>)
      %add3A_151 = arith.constant 2 : i32
      %add3A_152 = arith.addi %add3A_64, %add3A_151 : i32
      %ge3A = arith.constant 4 : i32
      %ge3A_153 = arith.cmpi sge, %add3A_152, %ge3A : i32
      %lt3A_154 = arith.constant 128 : i32
      %lt3A_155 = arith.cmpi slt, %add3A_152, %lt3A_154 : i32
      %and3A_156 = arith.andi %ge3A_153, %lt3A_155 : i1
      %convert_element_type3A = arith.extui %and3A_156 : i1 to i32
      %cond3A = arith.constant 0 : i32
      %cond3A_157 = arith.cmpi ne, %convert_element_type3A, %cond3A : i32
      scf.if %cond3A_157 {
        %sub3A_520 = arith.constant 4 : i32
        %sub3A_521 = arith.subi %add3A_152, %sub3A_520 : i32
        %jit3A_522 = arith.constant 1 : i32
        %div3A_523 = arith.divsi %sub3A_521, %jit3A_522 : i32
        %sign3A_524 = arith.constant 0 : i32
        %sign3A_525 = arith.cmpi sgt, %sub3A_521, %sign3A_524 : i32
        %sign3A_526 = arith.extui %sign3A_525 : i1 to i32
        %sign3A_527 = arith.constant 0 : i32
        %sign3A_528 = arith.cmpi slt, %sub3A_521, %sign3A_527 : i32
        %sign3A_529 = arith.extui %sign3A_528 : i1 to i32
        %sign3A_530 = arith.subi %sign3A_526, %sign3A_529 : i32
        %sign3A_531 = arith.constant 0 : i32
        %sign3A_532 = arith.cmpi sgt, %jit3A_522, %sign3A_531 : i32
        %sign3A_533 = arith.extui %sign3A_532 : i1 to i32
        %sign3A_534 = arith.constant 0 : i32
        %sign3A_535 = arith.cmpi slt, %jit3A_522, %sign3A_534 : i32
        %sign3A_536 = arith.extui %sign3A_535 : i1 to i32
        %sign3A_537 = arith.subi %sign3A_533, %sign3A_536 : i32
        %ne3A_538 = arith.cmpi ne, %sign3A_530, %sign3A_537 : i32
        %rem3A_539 = arith.remsi %sub3A_521, %jit3A_522 : i32
        %ne3A_540 = arith.constant 0 : i32
        %ne3A_541 = arith.cmpi ne, %rem3A_539, %ne3A_540 : i32
        %and3A_542 = arith.andi %ne3A_538, %ne3A_541 : i1
        %sub3A_543 = arith.constant 1 : i32
        %sub3A_544 = arith.subi %div3A_523, %sub3A_543 : i32
        %select_n3A_545 = arith.select %and3A_542, %sub3A_544, %div3A_523 : i32
        %add3A_546 = arith.addi %mul3A_2, %select_n3A_545 : i32
        %jit3A_547 = arith.constant 1 : i32
        %eq3A_548 = arith.constant 0 : i32
        %eq3A_549 = arith.cmpi eq, %jit3A_547, %eq3A_548 : i32
        %jit3A_550 = arith.constant 1 : i32
        %select_n3A_551 = arith.select %eq3A_549, %jit3A_550, %jit3A_547 : i32
        %rem3A_552 = arith.remsi %sub3A_521, %select_n3A_551 : i32
        %ne3A_553 = arith.constant 0 : i32
        %ne3A_554 = arith.cmpi ne, %rem3A_552, %ne3A_553 : i32
        %lt3A_555 = arith.constant 0 : i32
        %lt3A_556 = arith.cmpi slt, %rem3A_552, %lt3A_555 : i32
        %lt3A_557 = arith.constant 0 : i32
        %lt3A_558 = arith.cmpi slt, %select_n3A_551, %lt3A_557 : i32
        %ne3A_559 = arith.xori %lt3A_556, %lt3A_558 : i1
        %and3A_560 = arith.andi %ne3A_559, %ne3A_554 : i1
        %add3A_561 = arith.addi %rem3A_552, %select_n3A_551 : i32
        %select_n3A_562 = arith.select %and3A_560, %add3A_561, %rem3A_552 : i32
        %mul3A_563 = arith.constant 200 : i32
        %mul3A_564 = arith.muli %select_n3A_562, %mul3A_563 : i32
        %dma_wait3A_565 = arith.constant 0 : i32
        %dma_wait3A_566 = tpu.memref_slice %arg4[%add3A_546, %mul3A_564, %dma_wait3A_565] : memref<4096x200x64xf32, #tpu.memory_space<hbm>> -> memref<1x200x64xf32, #tpu.memory_space<hbm>>
        %dma_wait3A_567 = tpu.memref_squeeze %dma_wait3A_566 : memref<1x200x64xf32, #tpu.memory_space<hbm>> -> memref<200x64xf32, #tpu.memory_space<hbm>>
        %dma_wait3A_568 = arith.constant 0 : i32
        %dma_wait3A_569 = tpu.memref_slice %arg4[%add3A_546, %mul3A_564, %dma_wait3A_568] : memref<4096x200x64xf32, #tpu.memory_space<hbm>> -> memref<1x200x64xf32, #tpu.memory_space<hbm>>
        %dma_wait3A_570 = tpu.memref_squeeze %dma_wait3A_569 : memref<1x200x64xf32, #tpu.memory_space<hbm>> -> memref<200x64xf32, #tpu.memory_space<hbm>>
        tpu.wait_dma2 semaphore(%arg16 : memref<!tpu.dma_semaphore, #tpu.memory_space<semaphore_mem>>) src(%arg8 : memref<200x64xf32, #tpu.memory_space<vmem>>) dst(%dma_wait3A_570 : memref<200x64xf32, #tpu.memory_space<hbm>>)
        %jit3A_571 = arith.constant 1 : i32
        %div3A_572 = arith.divsi %add3A_152, %jit3A_571 : i32
        %sign3A_573 = arith.constant 0 : i32
        %sign3A_574 = arith.cmpi sgt, %add3A_152, %sign3A_573 : i32
        %sign3A_575 = arith.extui %sign3A_574 : i1 to i32
        %sign3A_576 = arith.constant 0 : i32
        %sign3A_577 = arith.cmpi slt, %add3A_152, %sign3A_576 : i32
        %sign3A_578 = arith.extui %sign3A_577 : i1 to i32
        %sign3A_579 = arith.subi %sign3A_575, %sign3A_578 : i32
        %sign3A_580 = arith.constant 0 : i32
        %sign3A_581 = arith.cmpi sgt, %jit3A_571, %sign3A_580 : i32
        %sign3A_582 = arith.extui %sign3A_581 : i1 to i32
        %sign3A_583 = arith.constant 0 : i32
        %sign3A_584 = arith.cmpi slt, %jit3A_571, %sign3A_583 : i32
        %sign3A_585 = arith.extui %sign3A_584 : i1 to i32
        %sign3A_586 = arith.subi %sign3A_582, %sign3A_585 : i32
        %ne3A_587 = arith.cmpi ne, %sign3A_579, %sign3A_586 : i32
        %rem3A_588 = arith.remsi %add3A_152, %jit3A_571 : i32
        %ne3A_589 = arith.constant 0 : i32
        %ne3A_590 = arith.cmpi ne, %rem3A_588, %ne3A_589 : i32
        %and3A_591 = arith.andi %ne3A_587, %ne3A_590 : i1
        %sub3A_592 = arith.constant 1 : i32
        %sub3A_593 = arith.subi %div3A_572, %sub3A_592 : i32
        %select_n3A_594 = arith.select %and3A_591, %sub3A_593, %div3A_572 : i32
        %jit3A_595 = arith.constant 1 : i32
        %eq3A_596 = arith.constant 0 : i32
        %eq3A_597 = arith.cmpi eq, %jit3A_595, %eq3A_596 : i32
        %jit3A_598 = arith.constant 1 : i32
        %select_n3A_599 = arith.select %eq3A_597, %jit3A_598, %jit3A_595 : i32
        %rem3A_600 = arith.remsi %add3A_152, %select_n3A_599 : i32
        %ne3A_601 = arith.constant 0 : i32
        %ne3A_602 = arith.cmpi ne, %rem3A_600, %ne3A_601 : i32
        %lt3A_603 = arith.constant 0 : i32
        %lt3A_604 = arith.cmpi slt, %rem3A_600, %lt3A_603 : i32
        %lt3A_605 = arith.constant 0 : i32
        %lt3A_606 = arith.cmpi slt, %select_n3A_599, %lt3A_605 : i32
        %ne3A_607 = arith.xori %lt3A_604, %lt3A_606 : i1
        %and3A_608 = arith.andi %ne3A_607, %ne3A_602 : i1
        %add3A_609 = arith.addi %rem3A_600, %select_n3A_599 : i32
        %select_n3A_610 = arith.select %and3A_608, %add3A_609, %rem3A_600 : i32
        %mul3A_611 = arith.constant 200 : i32
        %mul3A_612 = arith.muli %select_n3A_610, %mul3A_611 : i32
        %dma_start3A_613 = tpu.memref_slice %arg5[%select_n3A_594, %mul3A_612] : memref<128x200xi32, #tpu.memory_space<vmem>> -> memref<1x200xi32, #tpu.memory_space<vmem>>
        %dma_start3A_614 = tpu.memref_squeeze %dma_start3A_613 : memref<1x200xi32, #tpu.memory_space<vmem>> -> memref<200xi32, #tpu.memory_space<vmem>>
        %dma_start3A_615 = arith.constant 0 : i32
        %dma_start3A_616 = arith.constant 0 : i32
        %dma_start3A_617 = tpu.memref_slice %arg3[%dma_start3A_615, %dma_start3A_616] : memref<1000000x64xf32, #tpu.memory_space<hbm>> -> memref<1000000x64xf32, #tpu.memory_space<hbm>>
        tpu.enqueue_indirect_dma source(%dma_start3A_617 : memref<1000000x64xf32, #tpu.memory_space<hbm>>) target(%arg8 : memref<200x64xf32, #tpu.memory_space<vmem>>) offsets(%dma_start3A_614 : memref<200xi32, #tpu.memory_space<vmem>>) semaphore(%arg12 : memref<!tpu.dma_semaphore, #tpu.memory_space<semaphore_mem>>)
      } else {
      }
      %lt3A_158 = arith.constant 4 : i32
      %lt3A_159 = arith.cmpi slt, %add3A_152, %lt3A_158 : i32
      %lt3A_160 = arith.constant 128 : i32
      %lt3A_161 = arith.cmpi slt, %add3A_152, %lt3A_160 : i32
      %and3A_162 = arith.andi %lt3A_159, %lt3A_161 : i1
      %convert_element_type3A_163 = arith.extui %and3A_162 : i1 to i32
      %cond3A_164 = arith.constant 0 : i32
      %cond3A_165 = arith.cmpi ne, %convert_element_type3A_163, %cond3A_164 : i32
      scf.if %cond3A_165 {
        %jit3A_520 = arith.constant 1 : i32
        %div3A_521 = arith.divsi %add3A_152, %jit3A_520 : i32
        %sign3A_522 = arith.constant 0 : i32
        %sign3A_523 = arith.cmpi sgt, %add3A_152, %sign3A_522 : i32
        %sign3A_524 = arith.extui %sign3A_523 : i1 to i32
        %sign3A_525 = arith.constant 0 : i32
        %sign3A_526 = arith.cmpi slt, %add3A_152, %sign3A_525 : i32
        %sign3A_527 = arith.extui %sign3A_526 : i1 to i32
        %sign3A_528 = arith.subi %sign3A_524, %sign3A_527 : i32
        %sign3A_529 = arith.constant 0 : i32
        %sign3A_530 = arith.cmpi sgt, %jit3A_520, %sign3A_529 : i32
        %sign3A_531 = arith.extui %sign3A_530 : i1 to i32
        %sign3A_532 = arith.constant 0 : i32
        %sign3A_533 = arith.cmpi slt, %jit3A_520, %sign3A_532 : i32
        %sign3A_534 = arith.extui %sign3A_533 : i1 to i32
        %sign3A_535 = arith.subi %sign3A_531, %sign3A_534 : i32
        %ne3A_536 = arith.cmpi ne, %sign3A_528, %sign3A_535 : i32
        %rem3A_537 = arith.remsi %add3A_152, %jit3A_520 : i32
        %ne3A_538 = arith.constant 0 : i32
        %ne3A_539 = arith.cmpi ne, %rem3A_537, %ne3A_538 : i32
        %and3A_540 = arith.andi %ne3A_536, %ne3A_539 : i1
        %sub3A_541 = arith.constant 1 : i32
        %sub3A_542 = arith.subi %div3A_521, %sub3A_541 : i32
        %select_n3A_543 = arith.select %and3A_540, %sub3A_542, %div3A_521 : i32
        %jit3A_544 = arith.constant 1 : i32
        %eq3A_545 = arith.constant 0 : i32
        %eq3A_546 = arith.cmpi eq, %jit3A_544, %eq3A_545 : i32
        %jit3A_547 = arith.constant 1 : i32
        %select_n3A_548 = arith.select %eq3A_546, %jit3A_547, %jit3A_544 : i32
        %rem3A_549 = arith.remsi %add3A_152, %select_n3A_548 : i32
        %ne3A_550 = arith.constant 0 : i32
        %ne3A_551 = arith.cmpi ne, %rem3A_549, %ne3A_550 : i32
        %lt3A_552 = arith.constant 0 : i32
        %lt3A_553 = arith.cmpi slt, %rem3A_549, %lt3A_552 : i32
        %lt3A_554 = arith.constant 0 : i32
        %lt3A_555 = arith.cmpi slt, %select_n3A_548, %lt3A_554 : i32
        %ne3A_556 = arith.xori %lt3A_553, %lt3A_555 : i1
        %and3A_557 = arith.andi %ne3A_556, %ne3A_551 : i1
        %add3A_558 = arith.addi %rem3A_549, %select_n3A_548 : i32
        %select_n3A_559 = arith.select %and3A_557, %add3A_558, %rem3A_549 : i32
        %mul3A_560 = arith.constant 200 : i32
        %mul3A_561 = arith.muli %select_n3A_559, %mul3A_560 : i32
        %dma_start3A_562 = tpu.memref_slice %arg5[%select_n3A_543, %mul3A_561] : memref<128x200xi32, #tpu.memory_space<vmem>> -> memref<1x200xi32, #tpu.memory_space<vmem>>
        %dma_start3A_563 = tpu.memref_squeeze %dma_start3A_562 : memref<1x200xi32, #tpu.memory_space<vmem>> -> memref<200xi32, #tpu.memory_space<vmem>>
        %dma_start3A_564 = arith.constant 0 : i32
        %dma_start3A_565 = arith.constant 0 : i32
        %dma_start3A_566 = tpu.memref_slice %arg3[%dma_start3A_564, %dma_start3A_565] : memref<1000000x64xf32, #tpu.memory_space<hbm>> -> memref<1000000x64xf32, #tpu.memory_space<hbm>>
        tpu.enqueue_indirect_dma source(%dma_start3A_566 : memref<1000000x64xf32, #tpu.memory_space<hbm>>) target(%arg8 : memref<200x64xf32, #tpu.memory_space<vmem>>) offsets(%dma_start3A_563 : memref<200xi32, #tpu.memory_space<vmem>>) semaphore(%arg12 : memref<!tpu.dma_semaphore, #tpu.memory_space<semaphore_mem>>)
      } else {
      }
      %mul3A_166 = arith.constant 4 : i32
      %mul3A_167 = arith.muli %mul3A_166, %scan3A_60 : i32
      %add3A_168 = arith.constant 1 : i32
      %add3A_169 = arith.addi %mul3A_167, %add3A_168 : i32
      %jit3A_170 = arith.constant 1 : i32
      %div3A_171 = arith.divsi %add3A_169, %jit3A_170 : i32
      %sign3A_172 = arith.constant 0 : i32
      %sign3A_173 = arith.cmpi sgt, %add3A_169, %sign3A_172 : i32
      %sign3A_174 = arith.extui %sign3A_173 : i1 to i32
      %sign3A_175 = arith.constant 0 : i32
      %sign3A_176 = arith.cmpi slt, %add3A_169, %sign3A_175 : i32
      %sign3A_177 = arith.extui %sign3A_176 : i1 to i32
      %sign3A_178 = arith.subi %sign3A_174, %sign3A_177 : i32
      %sign3A_179 = arith.constant 0 : i32
      %sign3A_180 = arith.cmpi sgt, %jit3A_170, %sign3A_179 : i32
      %sign3A_181 = arith.extui %sign3A_180 : i1 to i32
      %sign3A_182 = arith.constant 0 : i32
      %sign3A_183 = arith.cmpi slt, %jit3A_170, %sign3A_182 : i32
      %sign3A_184 = arith.extui %sign3A_183 : i1 to i32
      %sign3A_185 = arith.subi %sign3A_181, %sign3A_184 : i32
      %ne3A_186 = arith.cmpi ne, %sign3A_178, %sign3A_185 : i32
      %rem3A_187 = arith.remsi %add3A_169, %jit3A_170 : i32
      %ne3A_188 = arith.constant 0 : i32
      %ne3A_189 = arith.cmpi ne, %rem3A_187, %ne3A_188 : i32
      %and3A_190 = arith.andi %ne3A_186, %ne3A_189 : i1
      %sub3A_191 = arith.constant 1 : i32
      %sub3A_192 = arith.subi %div3A_171, %sub3A_191 : i32
      %select_n3A_193 = arith.select %and3A_190, %sub3A_192, %div3A_171 : i32
      %jit3A_194 = arith.constant 1 : i32
      %eq3A_195 = arith.constant 0 : i32
      %eq3A_196 = arith.cmpi eq, %jit3A_194, %eq3A_195 : i32
      %jit3A_197 = arith.constant 1 : i32
      %select_n3A_198 = arith.select %eq3A_196, %jit3A_197, %jit3A_194 : i32
      %rem3A_199 = arith.remsi %add3A_169, %select_n3A_198 : i32
      %ne3A_200 = arith.constant 0 : i32
      %ne3A_201 = arith.cmpi ne, %rem3A_199, %ne3A_200 : i32
      %lt3A_202 = arith.constant 0 : i32
      %lt3A_203 = arith.cmpi slt, %rem3A_199, %lt3A_202 : i32
      %lt3A_204 = arith.constant 0 : i32
      %lt3A_205 = arith.cmpi slt, %select_n3A_198, %lt3A_204 : i32
      %ne3A_206 = arith.xori %lt3A_203, %lt3A_205 : i1
      %and3A_207 = arith.andi %ne3A_206, %ne3A_201 : i1
      %add3A_208 = arith.addi %rem3A_199, %select_n3A_198 : i32
      %select_n3A_209 = arith.select %and3A_207, %add3A_208, %rem3A_199 : i32
      %mul3A_210 = arith.constant 200 : i32
      %mul3A_211 = arith.muli %select_n3A_209, %mul3A_210 : i32
      %dma_wait3A_212 = tpu.memref_slice %arg5[%select_n3A_193, %mul3A_211] : memref<128x200xi32, #tpu.memory_space<vmem>> -> memref<1x200xi32, #tpu.memory_space<vmem>>
      %dma_wait3A_213 = tpu.memref_squeeze %dma_wait3A_212 : memref<1x200xi32, #tpu.memory_space<vmem>> -> memref<200xi32, #tpu.memory_space<vmem>>
      %dma_wait3A_214 = arith.constant 0 : i32
      %dma_wait3A_215 = arith.constant 0 : i32
      %dma_wait3A_216 = tpu.memref_slice %arg3[%dma_wait3A_214, %dma_wait3A_215] : memref<1000000x64xf32, #tpu.memory_space<hbm>> -> memref<1000000x64xf32, #tpu.memory_space<hbm>>
      tpu.wait_indirect_dma semaphore(%arg11 : memref<!tpu.dma_semaphore, #tpu.memory_space<semaphore_mem>>) src(%dma_wait3A_216 : memref<1000000x64xf32, #tpu.memory_space<hbm>>) dst(%arg7 : memref<200x64xf32, #tpu.memory_space<vmem>>)
      %jit3A_217 = arith.constant 1 : i32
      %div3A_218 = arith.divsi %add3A_169, %jit3A_217 : i32
      %sign3A_219 = arith.constant 0 : i32
      %sign3A_220 = arith.cmpi sgt, %add3A_169, %sign3A_219 : i32
      %sign3A_221 = arith.extui %sign3A_220 : i1 to i32
      %sign3A_222 = arith.constant 0 : i32
      %sign3A_223 = arith.cmpi slt, %add3A_169, %sign3A_222 : i32
      %sign3A_224 = arith.extui %sign3A_223 : i1 to i32
      %sign3A_225 = arith.subi %sign3A_221, %sign3A_224 : i32
      %sign3A_226 = arith.constant 0 : i32
      %sign3A_227 = arith.cmpi sgt, %jit3A_217, %sign3A_226 : i32
      %sign3A_228 = arith.extui %sign3A_227 : i1 to i32
      %sign3A_229 = arith.constant 0 : i32
      %sign3A_230 = arith.cmpi slt, %jit3A_217, %sign3A_229 : i32
      %sign3A_231 = arith.extui %sign3A_230 : i1 to i32
      %sign3A_232 = arith.subi %sign3A_228, %sign3A_231 : i32
      %ne3A_233 = arith.cmpi ne, %sign3A_225, %sign3A_232 : i32
      %rem3A_234 = arith.remsi %add3A_169, %jit3A_217 : i32
      %ne3A_235 = arith.constant 0 : i32
      %ne3A_236 = arith.cmpi ne, %rem3A_234, %ne3A_235 : i32
      %and3A_237 = arith.andi %ne3A_233, %ne3A_236 : i1
      %sub3A_238 = arith.constant 1 : i32
      %sub3A_239 = arith.subi %div3A_218, %sub3A_238 : i32
      %select_n3A_240 = arith.select %and3A_237, %sub3A_239, %div3A_218 : i32
      %add3A_241 = arith.addi %mul3A_2, %select_n3A_240 : i32
      %jit3A_242 = arith.constant 1 : i32
      %eq3A_243 = arith.constant 0 : i32
      %eq3A_244 = arith.cmpi eq, %jit3A_242, %eq3A_243 : i32
      %jit3A_245 = arith.constant 1 : i32
      %select_n3A_246 = arith.select %eq3A_244, %jit3A_245, %jit3A_242 : i32
      %rem3A_247 = arith.remsi %add3A_169, %select_n3A_246 : i32
      %ne3A_248 = arith.constant 0 : i32
      %ne3A_249 = arith.cmpi ne, %rem3A_247, %ne3A_248 : i32
      %lt3A_250 = arith.constant 0 : i32
      %lt3A_251 = arith.cmpi slt, %rem3A_247, %lt3A_250 : i32
      %lt3A_252 = arith.constant 0 : i32
      %lt3A_253 = arith.cmpi slt, %select_n3A_246, %lt3A_252 : i32
      %ne3A_254 = arith.xori %lt3A_251, %lt3A_253 : i1
      %and3A_255 = arith.andi %ne3A_254, %ne3A_249 : i1
      %add3A_256 = arith.addi %rem3A_247, %select_n3A_246 : i32
      %select_n3A_257 = arith.select %and3A_255, %add3A_256, %rem3A_247 : i32
      %mul3A_258 = arith.constant 200 : i32
      %mul3A_259 = arith.muli %select_n3A_257, %mul3A_258 : i32
      %dma_start3A_260 = arith.constant 0 : i32
      %dma_start3A_261 = tpu.memref_slice %arg4[%add3A_241, %mul3A_259, %dma_start3A_260] : memref<4096x200x64xf32, #tpu.memory_space<hbm>> -> memref<1x200x64xf32, #tpu.memory_space<hbm>>
      %dma_start3A_262 = tpu.memref_squeeze %dma_start3A_261 : memref<1x200x64xf32, #tpu.memory_space<hbm>> -> memref<200x64xf32, #tpu.memory_space<hbm>>
      %dma_start3A_263 = arith.constant 0 : i32
      %dma_start3A_264 = tpu.memref_slice %arg4[%add3A_241, %mul3A_259, %dma_start3A_263] : memref<4096x200x64xf32, #tpu.memory_space<hbm>> -> memref<1x200x64xf32, #tpu.memory_space<hbm>>
      %dma_start3A_265 = tpu.memref_squeeze %dma_start3A_264 : memref<1x200x64xf32, #tpu.memory_space<hbm>> -> memref<200x64xf32, #tpu.memory_space<hbm>>
      tpu.enqueue_dma source(%arg7 : memref<200x64xf32, #tpu.memory_space<vmem>>) target(%dma_start3A_265 : memref<200x64xf32, #tpu.memory_space<hbm>>) target_semaphore(%arg15 : memref<!tpu.dma_semaphore, #tpu.memory_space<semaphore_mem>>)
      %add3A_266 = arith.constant 2 : i32
      %add3A_267 = arith.addi %add3A_169, %add3A_266 : i32
      %ge3A_268 = arith.constant 4 : i32
      %ge3A_269 = arith.cmpi sge, %add3A_267, %ge3A_268 : i32
      %lt3A_270 = arith.constant 128 : i32
      %lt3A_271 = arith.cmpi slt, %add3A_267, %lt3A_270 : i32
      %and3A_272 = arith.andi %ge3A_269, %lt3A_271 : i1
      %convert_element_type3A_273 = arith.extui %and3A_272 : i1 to i32
      %cond3A_274 = arith.constant 0 : i32
      %cond3A_275 = arith.cmpi ne, %convert_element_type3A_273, %cond3A_274 : i32
      scf.if %cond3A_275 {
        %sub3A_520 = arith.constant 4 : i32
        %sub3A_521 = arith.subi %add3A_267, %sub3A_520 : i32
        %jit3A_522 = arith.constant 1 : i32
        %div3A_523 = arith.divsi %sub3A_521, %jit3A_522 : i32
        %sign3A_524 = arith.constant 0 : i32
        %sign3A_525 = arith.cmpi sgt, %sub3A_521, %sign3A_524 : i32
        %sign3A_526 = arith.extui %sign3A_525 : i1 to i32
        %sign3A_527 = arith.constant 0 : i32
        %sign3A_528 = arith.cmpi slt, %sub3A_521, %sign3A_527 : i32
        %sign3A_529 = arith.extui %sign3A_528 : i1 to i32
        %sign3A_530 = arith.subi %sign3A_526, %sign3A_529 : i32
        %sign3A_531 = arith.constant 0 : i32
        %sign3A_532 = arith.cmpi sgt, %jit3A_522, %sign3A_531 : i32
        %sign3A_533 = arith.extui %sign3A_532 : i1 to i32
        %sign3A_534 = arith.constant 0 : i32
        %sign3A_535 = arith.cmpi slt, %jit3A_522, %sign3A_534 : i32
        %sign3A_536 = arith.extui %sign3A_535 : i1 to i32
        %sign3A_537 = arith.subi %sign3A_533, %sign3A_536 : i32
        %ne3A_538 = arith.cmpi ne, %sign3A_530, %sign3A_537 : i32
        %rem3A_539 = arith.remsi %sub3A_521, %jit3A_522 : i32
        %ne3A_540 = arith.constant 0 : i32
        %ne3A_541 = arith.cmpi ne, %rem3A_539, %ne3A_540 : i32
        %and3A_542 = arith.andi %ne3A_538, %ne3A_541 : i1
        %sub3A_543 = arith.constant 1 : i32
        %sub3A_544 = arith.subi %div3A_523, %sub3A_543 : i32
        %select_n3A_545 = arith.select %and3A_542, %sub3A_544, %div3A_523 : i32
        %add3A_546 = arith.addi %mul3A_2, %select_n3A_545 : i32
        %jit3A_547 = arith.constant 1 : i32
        %eq3A_548 = arith.constant 0 : i32
        %eq3A_549 = arith.cmpi eq, %jit3A_547, %eq3A_548 : i32
        %jit3A_550 = arith.constant 1 : i32
        %select_n3A_551 = arith.select %eq3A_549, %jit3A_550, %jit3A_547 : i32
        %rem3A_552 = arith.remsi %sub3A_521, %select_n3A_551 : i32
        %ne3A_553 = arith.constant 0 : i32
        %ne3A_554 = arith.cmpi ne, %rem3A_552, %ne3A_553 : i32
        %lt3A_555 = arith.constant 0 : i32
        %lt3A_556 = arith.cmpi slt, %rem3A_552, %lt3A_555 : i32
        %lt3A_557 = arith.constant 0 : i32
        %lt3A_558 = arith.cmpi slt, %select_n3A_551, %lt3A_557 : i32
        %ne3A_559 = arith.xori %lt3A_556, %lt3A_558 : i1
        %and3A_560 = arith.andi %ne3A_559, %ne3A_554 : i1
        %add3A_561 = arith.addi %rem3A_552, %select_n3A_551 : i32
        %select_n3A_562 = arith.select %and3A_560, %add3A_561, %rem3A_552 : i32
        %mul3A_563 = arith.constant 200 : i32
        %mul3A_564 = arith.muli %select_n3A_562, %mul3A_563 : i32
        %dma_wait3A_565 = arith.constant 0 : i32
        %dma_wait3A_566 = tpu.memref_slice %arg4[%add3A_546, %mul3A_564, %dma_wait3A_565] : memref<4096x200x64xf32, #tpu.memory_space<hbm>> -> memref<1x200x64xf32, #tpu.memory_space<hbm>>
        %dma_wait3A_567 = tpu.memref_squeeze %dma_wait3A_566 : memref<1x200x64xf32, #tpu.memory_space<hbm>> -> memref<200x64xf32, #tpu.memory_space<hbm>>
        %dma_wait3A_568 = arith.constant 0 : i32
        %dma_wait3A_569 = tpu.memref_slice %arg4[%add3A_546, %mul3A_564, %dma_wait3A_568] : memref<4096x200x64xf32, #tpu.memory_space<hbm>> -> memref<1x200x64xf32, #tpu.memory_space<hbm>>
        %dma_wait3A_570 = tpu.memref_squeeze %dma_wait3A_569 : memref<1x200x64xf32, #tpu.memory_space<hbm>> -> memref<200x64xf32, #tpu.memory_space<hbm>>
        tpu.wait_dma2 semaphore(%arg17 : memref<!tpu.dma_semaphore, #tpu.memory_space<semaphore_mem>>) src(%arg9 : memref<200x64xf32, #tpu.memory_space<vmem>>) dst(%dma_wait3A_570 : memref<200x64xf32, #tpu.memory_space<hbm>>)
        %jit3A_571 = arith.constant 1 : i32
        %div3A_572 = arith.divsi %add3A_267, %jit3A_571 : i32
        %sign3A_573 = arith.constant 0 : i32
        %sign3A_574 = arith.cmpi sgt, %add3A_267, %sign3A_573 : i32
        %sign3A_575 = arith.extui %sign3A_574 : i1 to i32
        %sign3A_576 = arith.constant 0 : i32
        %sign3A_577 = arith.cmpi slt, %add3A_267, %sign3A_576 : i32
        %sign3A_578 = arith.extui %sign3A_577 : i1 to i32
        %sign3A_579 = arith.subi %sign3A_575, %sign3A_578 : i32
        %sign3A_580 = arith.constant 0 : i32
        %sign3A_581 = arith.cmpi sgt, %jit3A_571, %sign3A_580 : i32
        %sign3A_582 = arith.extui %sign3A_581 : i1 to i32
        %sign3A_583 = arith.constant 0 : i32
        %sign3A_584 = arith.cmpi slt, %jit3A_571, %sign3A_583 : i32
        %sign3A_585 = arith.extui %sign3A_584 : i1 to i32
        %sign3A_586 = arith.subi %sign3A_582, %sign3A_585 : i32
        %ne3A_587 = arith.cmpi ne, %sign3A_579, %sign3A_586 : i32
        %rem3A_588 = arith.remsi %add3A_267, %jit3A_571 : i32
        %ne3A_589 = arith.constant 0 : i32
        %ne3A_590 = arith.cmpi ne, %rem3A_588, %ne3A_589 : i32
        %and3A_591 = arith.andi %ne3A_587, %ne3A_590 : i1
        %sub3A_592 = arith.constant 1 : i32
        %sub3A_593 = arith.subi %div3A_572, %sub3A_592 : i32
        %select_n3A_594 = arith.select %and3A_591, %sub3A_593, %div3A_572 : i32
        %jit3A_595 = arith.constant 1 : i32
        %eq3A_596 = arith.constant 0 : i32
        %eq3A_597 = arith.cmpi eq, %jit3A_595, %eq3A_596 : i32
        %jit3A_598 = arith.constant 1 : i32
        %select_n3A_599 = arith.select %eq3A_597, %jit3A_598, %jit3A_595 : i32
        %rem3A_600 = arith.remsi %add3A_267, %select_n3A_599 : i32
        %ne3A_601 = arith.constant 0 : i32
        %ne3A_602 = arith.cmpi ne, %rem3A_600, %ne3A_601 : i32
        %lt3A_603 = arith.constant 0 : i32
        %lt3A_604 = arith.cmpi slt, %rem3A_600, %lt3A_603 : i32
        %lt3A_605 = arith.constant 0 : i32
        %lt3A_606 = arith.cmpi slt, %select_n3A_599, %lt3A_605 : i32
        %ne3A_607 = arith.xori %lt3A_604, %lt3A_606 : i1
        %and3A_608 = arith.andi %ne3A_607, %ne3A_602 : i1
        %add3A_609 = arith.addi %rem3A_600, %select_n3A_599 : i32
        %select_n3A_610 = arith.select %and3A_608, %add3A_609, %rem3A_600 : i32
        %mul3A_611 = arith.constant 200 : i32
        %mul3A_612 = arith.muli %select_n3A_610, %mul3A_611 : i32
        %dma_start3A_613 = tpu.memref_slice %arg5[%select_n3A_594, %mul3A_612] : memref<128x200xi32, #tpu.memory_space<vmem>> -> memref<1x200xi32, #tpu.memory_space<vmem>>
        %dma_start3A_614 = tpu.memref_squeeze %dma_start3A_613 : memref<1x200xi32, #tpu.memory_space<vmem>> -> memref<200xi32, #tpu.memory_space<vmem>>
        %dma_start3A_615 = arith.constant 0 : i32
        %dma_start3A_616 = arith.constant 0 : i32
        %dma_start3A_617 = tpu.memref_slice %arg3[%dma_start3A_615, %dma_start3A_616] : memref<1000000x64xf32, #tpu.memory_space<hbm>> -> memref<1000000x64xf32, #tpu.memory_space<hbm>>
        tpu.enqueue_indirect_dma source(%dma_start3A_617 : memref<1000000x64xf32, #tpu.memory_space<hbm>>) target(%arg9 : memref<200x64xf32, #tpu.memory_space<vmem>>) offsets(%dma_start3A_614 : memref<200xi32, #tpu.memory_space<vmem>>) semaphore(%arg13 : memref<!tpu.dma_semaphore, #tpu.memory_space<semaphore_mem>>)
      } else {
      }
      %lt3A_276 = arith.constant 4 : i32
      %lt3A_277 = arith.cmpi slt, %add3A_267, %lt3A_276 : i32
      %lt3A_278 = arith.constant 128 : i32
      %lt3A_279 = arith.cmpi slt, %add3A_267, %lt3A_278 : i32
      %and3A_280 = arith.andi %lt3A_277, %lt3A_279 : i1
      %convert_element_type3A_281 = arith.extui %and3A_280 : i1 to i32
      %cond3A_282 = arith.constant 0 : i32
      %cond3A_283 = arith.cmpi ne, %convert_element_type3A_281, %cond3A_282 : i32
      scf.if %cond3A_283 {
        %jit3A_520 = arith.constant 1 : i32
        %div3A_521 = arith.divsi %add3A_267, %jit3A_520 : i32
        %sign3A_522 = arith.constant 0 : i32
        %sign3A_523 = arith.cmpi sgt, %add3A_267, %sign3A_522 : i32
        %sign3A_524 = arith.extui %sign3A_523 : i1 to i32
        %sign3A_525 = arith.constant 0 : i32
        %sign3A_526 = arith.cmpi slt, %add3A_267, %sign3A_525 : i32
        %sign3A_527 = arith.extui %sign3A_526 : i1 to i32
        %sign3A_528 = arith.subi %sign3A_524, %sign3A_527 : i32
        %sign3A_529 = arith.constant 0 : i32
        %sign3A_530 = arith.cmpi sgt, %jit3A_520, %sign3A_529 : i32
        %sign3A_531 = arith.extui %sign3A_530 : i1 to i32
        %sign3A_532 = arith.constant 0 : i32
        %sign3A_533 = arith.cmpi slt, %jit3A_520, %sign3A_532 : i32
        %sign3A_534 = arith.extui %sign3A_533 : i1 to i32
        %sign3A_535 = arith.subi %sign3A_531, %sign3A_534 : i32
        %ne3A_536 = arith.cmpi ne, %sign3A_528, %sign3A_535 : i32
        %rem3A_537 = arith.remsi %add3A_267, %jit3A_520 : i32
        %ne3A_538 = arith.constant 0 : i32
        %ne3A_539 = arith.cmpi ne, %rem3A_537, %ne3A_538 : i32
        %and3A_540 = arith.andi %ne3A_536, %ne3A_539 : i1
        %sub3A_541 = arith.constant 1 : i32
        %sub3A_542 = arith.subi %div3A_521, %sub3A_541 : i32
        %select_n3A_543 = arith.select %and3A_540, %sub3A_542, %div3A_521 : i32
        %jit3A_544 = arith.constant 1 : i32
        %eq3A_545 = arith.constant 0 : i32
        %eq3A_546 = arith.cmpi eq, %jit3A_544, %eq3A_545 : i32
        %jit3A_547 = arith.constant 1 : i32
        %select_n3A_548 = arith.select %eq3A_546, %jit3A_547, %jit3A_544 : i32
        %rem3A_549 = arith.remsi %add3A_267, %select_n3A_548 : i32
        %ne3A_550 = arith.constant 0 : i32
        %ne3A_551 = arith.cmpi ne, %rem3A_549, %ne3A_550 : i32
        %lt3A_552 = arith.constant 0 : i32
        %lt3A_553 = arith.cmpi slt, %rem3A_549, %lt3A_552 : i32
        %lt3A_554 = arith.constant 0 : i32
        %lt3A_555 = arith.cmpi slt, %select_n3A_548, %lt3A_554 : i32
        %ne3A_556 = arith.xori %lt3A_553, %lt3A_555 : i1
        %and3A_557 = arith.andi %ne3A_556, %ne3A_551 : i1
        %add3A_558 = arith.addi %rem3A_549, %select_n3A_548 : i32
        %select_n3A_559 = arith.select %and3A_557, %add3A_558, %rem3A_549 : i32
        %mul3A_560 = arith.constant 200 : i32
        %mul3A_561 = arith.muli %select_n3A_559, %mul3A_560 : i32
        %dma_start3A_562 = tpu.memref_slice %arg5[%select_n3A_543, %mul3A_561] : memref<128x200xi32, #tpu.memory_space<vmem>> -> memref<1x200xi32, #tpu.memory_space<vmem>>
        %dma_start3A_563 = tpu.memref_squeeze %dma_start3A_562 : memref<1x200xi32, #tpu.memory_space<vmem>> -> memref<200xi32, #tpu.memory_space<vmem>>
        %dma_start3A_564 = arith.constant 0 : i32
        %dma_start3A_565 = arith.constant 0 : i32
        %dma_start3A_566 = tpu.memref_slice %arg3[%dma_start3A_564, %dma_start3A_565] : memref<1000000x64xf32, #tpu.memory_space<hbm>> -> memref<1000000x64xf32, #tpu.memory_space<hbm>>
        tpu.enqueue_indirect_dma source(%dma_start3A_566 : memref<1000000x64xf32, #tpu.memory_space<hbm>>) target(%arg9 : memref<200x64xf32, #tpu.memory_space<vmem>>) offsets(%dma_start3A_563 : memref<200xi32, #tpu.memory_space<vmem>>) semaphore(%arg13 : memref<!tpu.dma_semaphore, #tpu.memory_space<semaphore_mem>>)
      } else {
      }
      %mul3A_284 = arith.constant 4 : i32
      %mul3A_285 = arith.muli %mul3A_284, %scan3A_60 : i32
      %add3A_286 = arith.constant 2 : i32
      %add3A_287 = arith.addi %mul3A_285, %add3A_286 : i32
      %jit3A_288 = arith.constant 1 : i32
      %div3A_289 = arith.divsi %add3A_287, %jit3A_288 : i32
      %sign3A_290 = arith.constant 0 : i32
      %sign3A_291 = arith.cmpi sgt, %add3A_287, %sign3A_290 : i32
      %sign3A_292 = arith.extui %sign3A_291 : i1 to i32
      %sign3A_293 = arith.constant 0 : i32
      %sign3A_294 = arith.cmpi slt, %add3A_287, %sign3A_293 : i32
      %sign3A_295 = arith.extui %sign3A_294 : i1 to i32
      %sign3A_296 = arith.subi %sign3A_292, %sign3A_295 : i32
      %sign3A_297 = arith.constant 0 : i32
      %sign3A_298 = arith.cmpi sgt, %jit3A_288, %sign3A_297 : i32
      %sign3A_299 = arith.extui %sign3A_298 : i1 to i32
      %sign3A_300 = arith.constant 0 : i32
      %sign3A_301 = arith.cmpi slt, %jit3A_288, %sign3A_300 : i32
      %sign3A_302 = arith.extui %sign3A_301 : i1 to i32
      %sign3A_303 = arith.subi %sign3A_299, %sign3A_302 : i32
      %ne3A_304 = arith.cmpi ne, %sign3A_296, %sign3A_303 : i32
      %rem3A_305 = arith.remsi %add3A_287, %jit3A_288 : i32
      %ne3A_306 = arith.constant 0 : i32
      %ne3A_307 = arith.cmpi ne, %rem3A_305, %ne3A_306 : i32
      %and3A_308 = arith.andi %ne3A_304, %ne3A_307 : i1
      %sub3A_309 = arith.constant 1 : i32
      %sub3A_310 = arith.subi %div3A_289, %sub3A_309 : i32
      %select_n3A_311 = arith.select %and3A_308, %sub3A_310, %div3A_289 : i32
      %jit3A_312 = arith.constant 1 : i32
      %eq3A_313 = arith.constant 0 : i32
      %eq3A_314 = arith.cmpi eq, %jit3A_312, %eq3A_313 : i32
      %jit3A_315 = arith.constant 1 : i32
      %select_n3A_316 = arith.select %eq3A_314, %jit3A_315, %jit3A_312 : i32
      %rem3A_317 = arith.remsi %add3A_287, %select_n3A_316 : i32
      %ne3A_318 = arith.constant 0 : i32
      %ne3A_319 = arith.cmpi ne, %rem3A_317, %ne3A_318 : i32
      %lt3A_320 = arith.constant 0 : i32
      %lt3A_321 = arith.cmpi slt, %rem3A_317, %lt3A_320 : i32
      %lt3A_322 = arith.constant 0 : i32
      %lt3A_323 = arith.cmpi slt, %select_n3A_316, %lt3A_322 : i32
      %ne3A_324 = arith.xori %lt3A_321, %lt3A_323 : i1
      %and3A_325 = arith.andi %ne3A_324, %ne3A_319 : i1
      %add3A_326 = arith.addi %rem3A_317, %select_n3A_316 : i32
      %select_n3A_327 = arith.select %and3A_325, %add3A_326, %rem3A_317 : i32
      %mul3A_328 = arith.constant 200 : i32
      %mul3A_329 = arith.muli %select_n3A_327, %mul3A_328 : i32
      %dma_wait3A_330 = tpu.memref_slice %arg5[%select_n3A_311, %mul3A_329] : memref<128x200xi32, #tpu.memory_space<vmem>> -> memref<1x200xi32, #tpu.memory_space<vmem>>
      %dma_wait3A_331 = tpu.memref_squeeze %dma_wait3A_330 : memref<1x200xi32, #tpu.memory_space<vmem>> -> memref<200xi32, #tpu.memory_space<vmem>>
      %dma_wait3A_332 = arith.constant 0 : i32
      %dma_wait3A_333 = arith.constant 0 : i32
      %dma_wait3A_334 = tpu.memref_slice %arg3[%dma_wait3A_332, %dma_wait3A_333] : memref<1000000x64xf32, #tpu.memory_space<hbm>> -> memref<1000000x64xf32, #tpu.memory_space<hbm>>
      tpu.wait_indirect_dma semaphore(%arg12 : memref<!tpu.dma_semaphore, #tpu.memory_space<semaphore_mem>>) src(%dma_wait3A_334 : memref<1000000x64xf32, #tpu.memory_space<hbm>>) dst(%arg8 : memref<200x64xf32, #tpu.memory_space<vmem>>)
      %jit3A_335 = arith.constant 1 : i32
      %div3A_336 = arith.divsi %add3A_287, %jit3A_335 : i32
      %sign3A_337 = arith.constant 0 : i32
      %sign3A_338 = arith.cmpi sgt, %add3A_287, %sign3A_337 : i32
      %sign3A_339 = arith.extui %sign3A_338 : i1 to i32
      %sign3A_340 = arith.constant 0 : i32
      %sign3A_341 = arith.cmpi slt, %add3A_287, %sign3A_340 : i32
      %sign3A_342 = arith.extui %sign3A_341 : i1 to i32
      %sign3A_343 = arith.subi %sign3A_339, %sign3A_342 : i32
      %sign3A_344 = arith.constant 0 : i32
      %sign3A_345 = arith.cmpi sgt, %jit3A_335, %sign3A_344 : i32
      %sign3A_346 = arith.extui %sign3A_345 : i1 to i32
      %sign3A_347 = arith.constant 0 : i32
      %sign3A_348 = arith.cmpi slt, %jit3A_335, %sign3A_347 : i32
      %sign3A_349 = arith.extui %sign3A_348 : i1 to i32
      %sign3A_350 = arith.subi %sign3A_346, %sign3A_349 : i32
      %ne3A_351 = arith.cmpi ne, %sign3A_343, %sign3A_350 : i32
      %rem3A_352 = arith.remsi %add3A_287, %jit3A_335 : i32
      %ne3A_353 = arith.constant 0 : i32
      %ne3A_354 = arith.cmpi ne, %rem3A_352, %ne3A_353 : i32
      %and3A_355 = arith.andi %ne3A_351, %ne3A_354 : i1
      %sub3A_356 = arith.constant 1 : i32
      %sub3A_357 = arith.subi %div3A_336, %sub3A_356 : i32
      %select_n3A_358 = arith.select %and3A_355, %sub3A_357, %div3A_336 : i32
      %add3A_359 = arith.addi %mul3A_2, %select_n3A_358 : i32
      %jit3A_360 = arith.constant 1 : i32
      %eq3A_361 = arith.constant 0 : i32
      %eq3A_362 = arith.cmpi eq, %jit3A_360, %eq3A_361 : i32
      %jit3A_363 = arith.constant 1 : i32
      %select_n3A_364 = arith.select %eq3A_362, %jit3A_363, %jit3A_360 : i32
      %rem3A_365 = arith.remsi %add3A_287, %select_n3A_364 : i32
      %ne3A_366 = arith.constant 0 : i32
      %ne3A_367 = arith.cmpi ne, %rem3A_365, %ne3A_366 : i32
      %lt3A_368 = arith.constant 0 : i32
      %lt3A_369 = arith.cmpi slt, %rem3A_365, %lt3A_368 : i32
      %lt3A_370 = arith.constant 0 : i32
      %lt3A_371 = arith.cmpi slt, %select_n3A_364, %lt3A_370 : i32
      %ne3A_372 = arith.xori %lt3A_369, %lt3A_371 : i1
      %and3A_373 = arith.andi %ne3A_372, %ne3A_367 : i1
      %add3A_374 = arith.addi %rem3A_365, %select_n3A_364 : i32
      %select_n3A_375 = arith.select %and3A_373, %add3A_374, %rem3A_365 : i32
      %mul3A_376 = arith.constant 200 : i32
      %mul3A_377 = arith.muli %select_n3A_375, %mul3A_376 : i32
      %dma_start3A_378 = arith.constant 0 : i32
      %dma_start3A_379 = tpu.memref_slice %arg4[%add3A_359, %mul3A_377, %dma_start3A_378] : memref<4096x200x64xf32, #tpu.memory_space<hbm>> -> memref<1x200x64xf32, #tpu.memory_space<hbm>>
      %dma_start3A_380 = tpu.memref_squeeze %dma_start3A_379 : memref<1x200x64xf32, #tpu.memory_space<hbm>> -> memref<200x64xf32, #tpu.memory_space<hbm>>
      %dma_start3A_381 = arith.constant 0 : i32
      %dma_start3A_382 = tpu.memref_slice %arg4[%add3A_359, %mul3A_377, %dma_start3A_381] : memref<4096x200x64xf32, #tpu.memory_space<hbm>> -> memref<1x200x64xf32, #tpu.memory_space<hbm>>
      %dma_start3A_383 = tpu.memref_squeeze %dma_start3A_382 : memref<1x200x64xf32, #tpu.memory_space<hbm>> -> memref<200x64xf32, #tpu.memory_space<hbm>>
      tpu.enqueue_dma source(%arg8 : memref<200x64xf32, #tpu.memory_space<vmem>>) target(%dma_start3A_383 : memref<200x64xf32, #tpu.memory_space<hbm>>) target_semaphore(%arg16 : memref<!tpu.dma_semaphore, #tpu.memory_space<semaphore_mem>>)
      %add3A_384 = arith.constant 2 : i32
      %add3A_385 = arith.addi %add3A_287, %add3A_384 : i32
      %ge3A_386 = arith.constant 4 : i32
      %ge3A_387 = arith.cmpi sge, %add3A_385, %ge3A_386 : i32
      %lt3A_388 = arith.constant 128 : i32
      %lt3A_389 = arith.cmpi slt, %add3A_385, %lt3A_388 : i32
      %and3A_390 = arith.andi %ge3A_387, %lt3A_389 : i1
      %convert_element_type3A_391 = arith.extui %and3A_390 : i1 to i32
      %cond3A_392 = arith.constant 0 : i32
      %cond3A_393 = arith.cmpi ne, %convert_element_type3A_391, %cond3A_392 : i32
      scf.if %cond3A_393 {
        %sub3A_520 = arith.constant 4 : i32
        %sub3A_521 = arith.subi %add3A_385, %sub3A_520 : i32
        %jit3A_522 = arith.constant 1 : i32
        %div3A_523 = arith.divsi %sub3A_521, %jit3A_522 : i32
        %sign3A_524 = arith.constant 0 : i32
        %sign3A_525 = arith.cmpi sgt, %sub3A_521, %sign3A_524 : i32
        %sign3A_526 = arith.extui %sign3A_525 : i1 to i32
        %sign3A_527 = arith.constant 0 : i32
        %sign3A_528 = arith.cmpi slt, %sub3A_521, %sign3A_527 : i32
        %sign3A_529 = arith.extui %sign3A_528 : i1 to i32
        %sign3A_530 = arith.subi %sign3A_526, %sign3A_529 : i32
        %sign3A_531 = arith.constant 0 : i32
        %sign3A_532 = arith.cmpi sgt, %jit3A_522, %sign3A_531 : i32
        %sign3A_533 = arith.extui %sign3A_532 : i1 to i32
        %sign3A_534 = arith.constant 0 : i32
        %sign3A_535 = arith.cmpi slt, %jit3A_522, %sign3A_534 : i32
        %sign3A_536 = arith.extui %sign3A_535 : i1 to i32
        %sign3A_537 = arith.subi %sign3A_533, %sign3A_536 : i32
        %ne3A_538 = arith.cmpi ne, %sign3A_530, %sign3A_537 : i32
        %rem3A_539 = arith.remsi %sub3A_521, %jit3A_522 : i32
        %ne3A_540 = arith.constant 0 : i32
        %ne3A_541 = arith.cmpi ne, %rem3A_539, %ne3A_540 : i32
        %and3A_542 = arith.andi %ne3A_538, %ne3A_541 : i1
        %sub3A_543 = arith.constant 1 : i32
        %sub3A_544 = arith.subi %div3A_523, %sub3A_543 : i32
        %select_n3A_545 = arith.select %and3A_542, %sub3A_544, %div3A_523 : i32
        %add3A_546 = arith.addi %mul3A_2, %select_n3A_545 : i32
        %jit3A_547 = arith.constant 1 : i32
        %eq3A_548 = arith.constant 0 : i32
        %eq3A_549 = arith.cmpi eq, %jit3A_547, %eq3A_548 : i32
        %jit3A_550 = arith.constant 1 : i32
        %select_n3A_551 = arith.select %eq3A_549, %jit3A_550, %jit3A_547 : i32
        %rem3A_552 = arith.remsi %sub3A_521, %select_n3A_551 : i32
        %ne3A_553 = arith.constant 0 : i32
        %ne3A_554 = arith.cmpi ne, %rem3A_552, %ne3A_553 : i32
        %lt3A_555 = arith.constant 0 : i32
        %lt3A_556 = arith.cmpi slt, %rem3A_552, %lt3A_555 : i32
        %lt3A_557 = arith.constant 0 : i32
        %lt3A_558 = arith.cmpi slt, %select_n3A_551, %lt3A_557 : i32
        %ne3A_559 = arith.xori %lt3A_556, %lt3A_558 : i1
        %and3A_560 = arith.andi %ne3A_559, %ne3A_554 : i1
        %add3A_561 = arith.addi %rem3A_552, %select_n3A_551 : i32
        %select_n3A_562 = arith.select %and3A_560, %add3A_561, %rem3A_552 : i32
        %mul3A_563 = arith.constant 200 : i32
        %mul3A_564 = arith.muli %select_n3A_562, %mul3A_563 : i32
        %dma_wait3A_565 = arith.constant 0 : i32
        %dma_wait3A_566 = tpu.memref_slice %arg4[%add3A_546, %mul3A_564, %dma_wait3A_565] : memref<4096x200x64xf32, #tpu.memory_space<hbm>> -> memref<1x200x64xf32, #tpu.memory_space<hbm>>
        %dma_wait3A_567 = tpu.memref_squeeze %dma_wait3A_566 : memref<1x200x64xf32, #tpu.memory_space<hbm>> -> memref<200x64xf32, #tpu.memory_space<hbm>>
        %dma_wait3A_568 = arith.constant 0 : i32
        %dma_wait3A_569 = tpu.memref_slice %arg4[%add3A_546, %mul3A_564, %dma_wait3A_568] : memref<4096x200x64xf32, #tpu.memory_space<hbm>> -> memref<1x200x64xf32, #tpu.memory_space<hbm>>
        %dma_wait3A_570 = tpu.memref_squeeze %dma_wait3A_569 : memref<1x200x64xf32, #tpu.memory_space<hbm>> -> memref<200x64xf32, #tpu.memory_space<hbm>>
        tpu.wait_dma2 semaphore(%arg14 : memref<!tpu.dma_semaphore, #tpu.memory_space<semaphore_mem>>) src(%arg6 : memref<200x64xf32, #tpu.memory_space<vmem>>) dst(%dma_wait3A_570 : memref<200x64xf32, #tpu.memory_space<hbm>>)
        %jit3A_571 = arith.constant 1 : i32
        %div3A_572 = arith.divsi %add3A_385, %jit3A_571 : i32
        %sign3A_573 = arith.constant 0 : i32
        %sign3A_574 = arith.cmpi sgt, %add3A_385, %sign3A_573 : i32
        %sign3A_575 = arith.extui %sign3A_574 : i1 to i32
        %sign3A_576 = arith.constant 0 : i32
        %sign3A_577 = arith.cmpi slt, %add3A_385, %sign3A_576 : i32
        %sign3A_578 = arith.extui %sign3A_577 : i1 to i32
        %sign3A_579 = arith.subi %sign3A_575, %sign3A_578 : i32
        %sign3A_580 = arith.constant 0 : i32
        %sign3A_581 = arith.cmpi sgt, %jit3A_571, %sign3A_580 : i32
        %sign3A_582 = arith.extui %sign3A_581 : i1 to i32
        %sign3A_583 = arith.constant 0 : i32
        %sign3A_584 = arith.cmpi slt, %jit3A_571, %sign3A_583 : i32
        %sign3A_585 = arith.extui %sign3A_584 : i1 to i32
        %sign3A_586 = arith.subi %sign3A_582, %sign3A_585 : i32
        %ne3A_587 = arith.cmpi ne, %sign3A_579, %sign3A_586 : i32
        %rem3A_588 = arith.remsi %add3A_385, %jit3A_571 : i32
        %ne3A_589 = arith.constant 0 : i32
        %ne3A_590 = arith.cmpi ne, %rem3A_588, %ne3A_589 : i32
        %and3A_591 = arith.andi %ne3A_587, %ne3A_590 : i1
        %sub3A_592 = arith.constant 1 : i32
        %sub3A_593 = arith.subi %div3A_572, %sub3A_592 : i32
        %select_n3A_594 = arith.select %and3A_591, %sub3A_593, %div3A_572 : i32
        %jit3A_595 = arith.constant 1 : i32
        %eq3A_596 = arith.constant 0 : i32
        %eq3A_597 = arith.cmpi eq, %jit3A_595, %eq3A_596 : i32
        %jit3A_598 = arith.constant 1 : i32
        %select_n3A_599 = arith.select %eq3A_597, %jit3A_598, %jit3A_595 : i32
        %rem3A_600 = arith.remsi %add3A_385, %select_n3A_599 : i32
        %ne3A_601 = arith.constant 0 : i32
        %ne3A_602 = arith.cmpi ne, %rem3A_600, %ne3A_601 : i32
        %lt3A_603 = arith.constant 0 : i32
        %lt3A_604 = arith.cmpi slt, %rem3A_600, %lt3A_603 : i32
        %lt3A_605 = arith.constant 0 : i32
        %lt3A_606 = arith.cmpi slt, %select_n3A_599, %lt3A_605 : i32
        %ne3A_607 = arith.xori %lt3A_604, %lt3A_606 : i1
        %and3A_608 = arith.andi %ne3A_607, %ne3A_602 : i1
        %add3A_609 = arith.addi %rem3A_600, %select_n3A_599 : i32
        %select_n3A_610 = arith.select %and3A_608, %add3A_609, %rem3A_600 : i32
        %mul3A_611 = arith.constant 200 : i32
        %mul3A_612 = arith.muli %select_n3A_610, %mul3A_611 : i32
        %dma_start3A_613 = tpu.memref_slice %arg5[%select_n3A_594, %mul3A_612] : memref<128x200xi32, #tpu.memory_space<vmem>> -> memref<1x200xi32, #tpu.memory_space<vmem>>
        %dma_start3A_614 = tpu.memref_squeeze %dma_start3A_613 : memref<1x200xi32, #tpu.memory_space<vmem>> -> memref<200xi32, #tpu.memory_space<vmem>>
        %dma_start3A_615 = arith.constant 0 : i32
        %dma_start3A_616 = arith.constant 0 : i32
        %dma_start3A_617 = tpu.memref_slice %arg3[%dma_start3A_615, %dma_start3A_616] : memref<1000000x64xf32, #tpu.memory_space<hbm>> -> memref<1000000x64xf32, #tpu.memory_space<hbm>>
        tpu.enqueue_indirect_dma source(%dma_start3A_617 : memref<1000000x64xf32, #tpu.memory_space<hbm>>) target(%arg6 : memref<200x64xf32, #tpu.memory_space<vmem>>) offsets(%dma_start3A_614 : memref<200xi32, #tpu.memory_space<vmem>>) semaphore(%arg10 : memref<!tpu.dma_semaphore, #tpu.memory_space<semaphore_mem>>)
      } else {
      }
      %lt3A_394 = arith.constant 4 : i32
      %lt3A_395 = arith.cmpi slt, %add3A_385, %lt3A_394 : i32
      %lt3A_396 = arith.constant 128 : i32
      %lt3A_397 = arith.cmpi slt, %add3A_385, %lt3A_396 : i32
      %and3A_398 = arith.andi %lt3A_395, %lt3A_397 : i1
      %convert_element_type3A_399 = arith.extui %and3A_398 : i1 to i32
      %cond3A_400 = arith.constant 0 : i32
      %cond3A_401 = arith.cmpi ne, %convert_element_type3A_399, %cond3A_400 : i32
      scf.if %cond3A_401 {
        %jit3A_520 = arith.constant 1 : i32
        %div3A_521 = arith.divsi %add3A_385, %jit3A_520 : i32
        %sign3A_522 = arith.constant 0 : i32
        %sign3A_523 = arith.cmpi sgt, %add3A_385, %sign3A_522 : i32
        %sign3A_524 = arith.extui %sign3A_523 : i1 to i32
        %sign3A_525 = arith.constant 0 : i32
        %sign3A_526 = arith.cmpi slt, %add3A_385, %sign3A_525 : i32
        %sign3A_527 = arith.extui %sign3A_526 : i1 to i32
        %sign3A_528 = arith.subi %sign3A_524, %sign3A_527 : i32
        %sign3A_529 = arith.constant 0 : i32
        %sign3A_530 = arith.cmpi sgt, %jit3A_520, %sign3A_529 : i32
        %sign3A_531 = arith.extui %sign3A_530 : i1 to i32
        %sign3A_532 = arith.constant 0 : i32
        %sign3A_533 = arith.cmpi slt, %jit3A_520, %sign3A_532 : i32
        %sign3A_534 = arith.extui %sign3A_533 : i1 to i32
        %sign3A_535 = arith.subi %sign3A_531, %sign3A_534 : i32
        %ne3A_536 = arith.cmpi ne, %sign3A_528, %sign3A_535 : i32
        %rem3A_537 = arith.remsi %add3A_385, %jit3A_520 : i32
        %ne3A_538 = arith.constant 0 : i32
        %ne3A_539 = arith.cmpi ne, %rem3A_537, %ne3A_538 : i32
        %and3A_540 = arith.andi %ne3A_536, %ne3A_539 : i1
        %sub3A_541 = arith.constant 1 : i32
        %sub3A_542 = arith.subi %div3A_521, %sub3A_541 : i32
        %select_n3A_543 = arith.select %and3A_540, %sub3A_542, %div3A_521 : i32
        %jit3A_544 = arith.constant 1 : i32
        %eq3A_545 = arith.constant 0 : i32
        %eq3A_546 = arith.cmpi eq, %jit3A_544, %eq3A_545 : i32
        %jit3A_547 = arith.constant 1 : i32
        %select_n3A_548 = arith.select %eq3A_546, %jit3A_547, %jit3A_544 : i32
        %rem3A_549 = arith.remsi %add3A_385, %select_n3A_548 : i32
        %ne3A_550 = arith.constant 0 : i32
        %ne3A_551 = arith.cmpi ne, %rem3A_549, %ne3A_550 : i32
        %lt3A_552 = arith.constant 0 : i32
        %lt3A_553 = arith.cmpi slt, %rem3A_549, %lt3A_552 : i32
        %lt3A_554 = arith.constant 0 : i32
        %lt3A_555 = arith.cmpi slt, %select_n3A_548, %lt3A_554 : i32
        %ne3A_556 = arith.xori %lt3A_553, %lt3A_555 : i1
        %and3A_557 = arith.andi %ne3A_556, %ne3A_551 : i1
        %add3A_558 = arith.addi %rem3A_549, %select_n3A_548 : i32
        %select_n3A_559 = arith.select %and3A_557, %add3A_558, %rem3A_549 : i32
        %mul3A_560 = arith.constant 200 : i32
        %mul3A_561 = arith.muli %select_n3A_559, %mul3A_560 : i32
        %dma_start3A_562 = tpu.memref_slice %arg5[%select_n3A_543, %mul3A_561] : memref<128x200xi32, #tpu.memory_space<vmem>> -> memref<1x200xi32, #tpu.memory_space<vmem>>
        %dma_start3A_563 = tpu.memref_squeeze %dma_start3A_562 : memref<1x200xi32, #tpu.memory_space<vmem>> -> memref<200xi32, #tpu.memory_space<vmem>>
        %dma_start3A_564 = arith.constant 0 : i32
        %dma_start3A_565 = arith.constant 0 : i32
        %dma_start3A_566 = tpu.memref_slice %arg3[%dma_start3A_564, %dma_start3A_565] : memref<1000000x64xf32, #tpu.memory_space<hbm>> -> memref<1000000x64xf32, #tpu.memory_space<hbm>>
        tpu.enqueue_indirect_dma source(%dma_start3A_566 : memref<1000000x64xf32, #tpu.memory_space<hbm>>) target(%arg6 : memref<200x64xf32, #tpu.memory_space<vmem>>) offsets(%dma_start3A_563 : memref<200xi32, #tpu.memory_space<vmem>>) semaphore(%arg10 : memref<!tpu.dma_semaphore, #tpu.memory_space<semaphore_mem>>)
      } else {
      }
      %mul3A_402 = arith.constant 4 : i32
      %mul3A_403 = arith.muli %mul3A_402, %scan3A_60 : i32
      %add3A_404 = arith.constant 3 : i32
      %add3A_405 = arith.addi %mul3A_403, %add3A_404 : i32
      %jit3A_406 = arith.constant 1 : i32
      %div3A_407 = arith.divsi %add3A_405, %jit3A_406 : i32
      %sign3A_408 = arith.constant 0 : i32
      %sign3A_409 = arith.cmpi sgt, %add3A_405, %sign3A_408 : i32
      %sign3A_410 = arith.extui %sign3A_409 : i1 to i32
      %sign3A_411 = arith.constant 0 : i32
      %sign3A_412 = arith.cmpi slt, %add3A_405, %sign3A_411 : i32
      %sign3A_413 = arith.extui %sign3A_412 : i1 to i32
      %sign3A_414 = arith.subi %sign3A_410, %sign3A_413 : i32
      %sign3A_415 = arith.constant 0 : i32
      %sign3A_416 = arith.cmpi sgt, %jit3A_406, %sign3A_415 : i32
      %sign3A_417 = arith.extui %sign3A_416 : i1 to i32
      %sign3A_418 = arith.constant 0 : i32
      %sign3A_419 = arith.cmpi slt, %jit3A_406, %sign3A_418 : i32
      %sign3A_420 = arith.extui %sign3A_419 : i1 to i32
      %sign3A_421 = arith.subi %sign3A_417, %sign3A_420 : i32
      %ne3A_422 = arith.cmpi ne, %sign3A_414, %sign3A_421 : i32
      %rem3A_423 = arith.remsi %add3A_405, %jit3A_406 : i32
      %ne3A_424 = arith.constant 0 : i32
      %ne3A_425 = arith.cmpi ne, %rem3A_423, %ne3A_424 : i32
      %and3A_426 = arith.andi %ne3A_422, %ne3A_425 : i1
      %sub3A_427 = arith.constant 1 : i32
      %sub3A_428 = arith.subi %div3A_407, %sub3A_427 : i32
      %select_n3A_429 = arith.select %and3A_426, %sub3A_428, %div3A_407 : i32
      %jit3A_430 = arith.constant 1 : i32
      %eq3A_431 = arith.constant 0 : i32
      %eq3A_432 = arith.cmpi eq, %jit3A_430, %eq3A_431 : i32
      %jit3A_433 = arith.constant 1 : i32
      %select_n3A_434 = arith.select %eq3A_432, %jit3A_433, %jit3A_430 : i32
      %rem3A_435 = arith.remsi %add3A_405, %select_n3A_434 : i32
      %ne3A_436 = arith.constant 0 : i32
      %ne3A_437 = arith.cmpi ne, %rem3A_435, %ne3A_436 : i32
      %lt3A_438 = arith.constant 0 : i32
      %lt3A_439 = arith.cmpi slt, %rem3A_435, %lt3A_438 : i32
      %lt3A_440 = arith.constant 0 : i32
      %lt3A_441 = arith.cmpi slt, %select_n3A_434, %lt3A_440 : i32
      %ne3A_442 = arith.xori %lt3A_439, %lt3A_441 : i1
      %and3A_443 = arith.andi %ne3A_442, %ne3A_437 : i1
      %add3A_444 = arith.addi %rem3A_435, %select_n3A_434 : i32
      %select_n3A_445 = arith.select %and3A_443, %add3A_444, %rem3A_435 : i32
      %mul3A_446 = arith.constant 200 : i32
      %mul3A_447 = arith.muli %select_n3A_445, %mul3A_446 : i32
      %dma_wait3A_448 = tpu.memref_slice %arg5[%select_n3A_429, %mul3A_447] : memref<128x200xi32, #tpu.memory_space<vmem>> -> memref<1x200xi32, #tpu.memory_space<vmem>>
      %dma_wait3A_449 = tpu.memref_squeeze %dma_wait3A_448 : memref<1x200xi32, #tpu.memory_space<vmem>> -> memref<200xi32, #tpu.memory_space<vmem>>
      %dma_wait3A_450 = arith.constant 0 : i32
      %dma_wait3A_451 = arith.constant 0 : i32
      %dma_wait3A_452 = tpu.memref_slice %arg3[%dma_wait3A_450, %dma_wait3A_451] : memref<1000000x64xf32, #tpu.memory_space<hbm>> -> memref<1000000x64xf32, #tpu.memory_space<hbm>>
      tpu.wait_indirect_dma semaphore(%arg13 : memref<!tpu.dma_semaphore, #tpu.memory_space<semaphore_mem>>) src(%dma_wait3A_452 : memref<1000000x64xf32, #tpu.memory_space<hbm>>) dst(%arg9 : memref<200x64xf32, #tpu.memory_space<vmem>>)
      %jit3A_453 = arith.constant 1 : i32
      %div3A_454 = arith.divsi %add3A_405, %jit3A_453 : i32
      %sign3A_455 = arith.constant 0 : i32
      %sign3A_456 = arith.cmpi sgt, %add3A_405, %sign3A_455 : i32
      %sign3A_457 = arith.extui %sign3A_456 : i1 to i32
      %sign3A_458 = arith.constant 0 : i32
      %sign3A_459 = arith.cmpi slt, %add3A_405, %sign3A_458 : i32
      %sign3A_460 = arith.extui %sign3A_459 : i1 to i32
      %sign3A_461 = arith.subi %sign3A_457, %sign3A_460 : i32
      %sign3A_462 = arith.constant 0 : i32
      %sign3A_463 = arith.cmpi sgt, %jit3A_453, %sign3A_462 : i32
      %sign3A_464 = arith.extui %sign3A_463 : i1 to i32
      %sign3A_465 = arith.constant 0 : i32
      %sign3A_466 = arith.cmpi slt, %jit3A_453, %sign3A_465 : i32
      %sign3A_467 = arith.extui %sign3A_466 : i1 to i32
      %sign3A_468 = arith.subi %sign3A_464, %sign3A_467 : i32
      %ne3A_469 = arith.cmpi ne, %sign3A_461, %sign3A_468 : i32
      %rem3A_470 = arith.remsi %add3A_405, %jit3A_453 : i32
      %ne3A_471 = arith.constant 0 : i32
      %ne3A_472 = arith.cmpi ne, %rem3A_470, %ne3A_471 : i32
      %and3A_473 = arith.andi %ne3A_469, %ne3A_472 : i1
      %sub3A_474 = arith.constant 1 : i32
      %sub3A_475 = arith.subi %div3A_454, %sub3A_474 : i32
      %select_n3A_476 = arith.select %and3A_473, %sub3A_475, %div3A_454 : i32
      %add3A_477 = arith.addi %mul3A_2, %select_n3A_476 : i32
      %jit3A_478 = arith.constant 1 : i32
      %eq3A_479 = arith.constant 0 : i32
      %eq3A_480 = arith.cmpi eq, %jit3A_478, %eq3A_479 : i32
      %jit3A_481 = arith.constant 1 : i32
      %select_n3A_482 = arith.select %eq3A_480, %jit3A_481, %jit3A_478 : i32
      %rem3A_483 = arith.remsi %add3A_405, %select_n3A_482 : i32
      %ne3A_484 = arith.constant 0 : i32
      %ne3A_485 = arith.cmpi ne, %rem3A_483, %ne3A_484 : i32
      %lt3A_486 = arith.constant 0 : i32
      %lt3A_487 = arith.cmpi slt, %rem3A_483, %lt3A_486 : i32
      %lt3A_488 = arith.constant 0 : i32
      %lt3A_489 = arith.cmpi slt, %select_n3A_482, %lt3A_488 : i32
      %ne3A_490 = arith.xori %lt3A_487, %lt3A_489 : i1
      %and3A_491 = arith.andi %ne3A_490, %ne3A_485 : i1
      %add3A_492 = arith.addi %rem3A_483, %select_n3A_482 : i32
      %select_n3A_493 = arith.select %and3A_491, %add3A_492, %rem3A_483 : i32
      %mul3A_494 = arith.constant 200 : i32
      %mul3A_495 = arith.muli %select_n3A_493, %mul3A_494 : i32
      %dma_start3A_496 = arith.constant 0 : i32
      %dma_start3A_497 = tpu.memref_slice %arg4[%add3A_477, %mul3A_495, %dma_start3A_496] : memref<4096x200x64xf32, #tpu.memory_space<hbm>> -> memref<1x200x64xf32, #tpu.memory_space<hbm>>
      %dma_start3A_498 = tpu.memref_squeeze %dma_start3A_497 : memref<1x200x64xf32, #tpu.memory_space<hbm>> -> memref<200x64xf32, #tpu.memory_space<hbm>>
      %dma_start3A_499 = arith.constant 0 : i32
      %dma_start3A_500 = tpu.memref_slice %arg4[%add3A_477, %mul3A_495, %dma_start3A_499] : memref<4096x200x64xf32, #tpu.memory_space<hbm>> -> memref<1x200x64xf32, #tpu.memory_space<hbm>>
      %dma_start3A_501 = tpu.memref_squeeze %dma_start3A_500 : memref<1x200x64xf32, #tpu.memory_space<hbm>> -> memref<200x64xf32, #tpu.memory_space<hbm>>
      tpu.enqueue_dma source(%arg9 : memref<200x64xf32, #tpu.memory_space<vmem>>) target(%dma_start3A_501 : memref<200x64xf32, #tpu.memory_space<hbm>>) target_semaphore(%arg17 : memref<!tpu.dma_semaphore, #tpu.memory_space<semaphore_mem>>)
      %add3A_502 = arith.constant 2 : i32
      %add3A_503 = arith.addi %add3A_405, %add3A_502 : i32
      %ge3A_504 = arith.constant 4 : i32
      %ge3A_505 = arith.cmpi sge, %add3A_503, %ge3A_504 : i32
      %lt3A_506 = arith.constant 128 : i32
      %lt3A_507 = arith.cmpi slt, %add3A_503, %lt3A_506 : i32
      %and3A_508 = arith.andi %ge3A_505, %lt3A_507 : i1
      %convert_element_type3A_509 = arith.extui %and3A_508 : i1 to i32
      %cond3A_510 = arith.constant 0 : i32
      %cond3A_511 = arith.cmpi ne, %convert_element_type3A_509, %cond3A_510 : i32
      scf.if %cond3A_511 {
        %sub3A_520 = arith.constant 4 : i32
        %sub3A_521 = arith.subi %add3A_503, %sub3A_520 : i32
        %jit3A_522 = arith.constant 1 : i32
        %div3A_523 = arith.divsi %sub3A_521, %jit3A_522 : i32
        %sign3A_524 = arith.constant 0 : i32
        %sign3A_525 = arith.cmpi sgt, %sub3A_521, %sign3A_524 : i32
        %sign3A_526 = arith.extui %sign3A_525 : i1 to i32
        %sign3A_527 = arith.constant 0 : i32
        %sign3A_528 = arith.cmpi slt, %sub3A_521, %sign3A_527 : i32
        %sign3A_529 = arith.extui %sign3A_528 : i1 to i32
        %sign3A_530 = arith.subi %sign3A_526, %sign3A_529 : i32
        %sign3A_531 = arith.constant 0 : i32
        %sign3A_532 = arith.cmpi sgt, %jit3A_522, %sign3A_531 : i32
        %sign3A_533 = arith.extui %sign3A_532 : i1 to i32
        %sign3A_534 = arith.constant 0 : i32
        %sign3A_535 = arith.cmpi slt, %jit3A_522, %sign3A_534 : i32
        %sign3A_536 = arith.extui %sign3A_535 : i1 to i32
        %sign3A_537 = arith.subi %sign3A_533, %sign3A_536 : i32
        %ne3A_538 = arith.cmpi ne, %sign3A_530, %sign3A_537 : i32
        %rem3A_539 = arith.remsi %sub3A_521, %jit3A_522 : i32
        %ne3A_540 = arith.constant 0 : i32
        %ne3A_541 = arith.cmpi ne, %rem3A_539, %ne3A_540 : i32
        %and3A_542 = arith.andi %ne3A_538, %ne3A_541 : i1
        %sub3A_543 = arith.constant 1 : i32
        %sub3A_544 = arith.subi %div3A_523, %sub3A_543 : i32
        %select_n3A_545 = arith.select %and3A_542, %sub3A_544, %div3A_523 : i32
        %add3A_546 = arith.addi %mul3A_2, %select_n3A_545 : i32
        %jit3A_547 = arith.constant 1 : i32
        %eq3A_548 = arith.constant 0 : i32
        %eq3A_549 = arith.cmpi eq, %jit3A_547, %eq3A_548 : i32
        %jit3A_550 = arith.constant 1 : i32
        %select_n3A_551 = arith.select %eq3A_549, %jit3A_550, %jit3A_547 : i32
        %rem3A_552 = arith.remsi %sub3A_521, %select_n3A_551 : i32
        %ne3A_553 = arith.constant 0 : i32
        %ne3A_554 = arith.cmpi ne, %rem3A_552, %ne3A_553 : i32
        %lt3A_555 = arith.constant 0 : i32
        %lt3A_556 = arith.cmpi slt, %rem3A_552, %lt3A_555 : i32
        %lt3A_557 = arith.constant 0 : i32
        %lt3A_558 = arith.cmpi slt, %select_n3A_551, %lt3A_557 : i32
        %ne3A_559 = arith.xori %lt3A_556, %lt3A_558 : i1
        %and3A_560 = arith.andi %ne3A_559, %ne3A_554 : i1
        %add3A_561 = arith.addi %rem3A_552, %select_n3A_551 : i32
        %select_n3A_562 = arith.select %and3A_560, %add3A_561, %rem3A_552 : i32
        %mul3A_563 = arith.constant 200 : i32
        %mul3A_564 = arith.muli %select_n3A_562, %mul3A_563 : i32
        %dma_wait3A_565 = arith.constant 0 : i32
        %dma_wait3A_566 = tpu.memref_slice %arg4[%add3A_546, %mul3A_564, %dma_wait3A_565] : memref<4096x200x64xf32, #tpu.memory_space<hbm>> -> memref<1x200x64xf32, #tpu.memory_space<hbm>>
        %dma_wait3A_567 = tpu.memref_squeeze %dma_wait3A_566 : memref<1x200x64xf32, #tpu.memory_space<hbm>> -> memref<200x64xf32, #tpu.memory_space<hbm>>
        %dma_wait3A_568 = arith.constant 0 : i32
        %dma_wait3A_569 = tpu.memref_slice %arg4[%add3A_546, %mul3A_564, %dma_wait3A_568] : memref<4096x200x64xf32, #tpu.memory_space<hbm>> -> memref<1x200x64xf32, #tpu.memory_space<hbm>>
        %dma_wait3A_570 = tpu.memref_squeeze %dma_wait3A_569 : memref<1x200x64xf32, #tpu.memory_space<hbm>> -> memref<200x64xf32, #tpu.memory_space<hbm>>
        tpu.wait_dma2 semaphore(%arg15 : memref<!tpu.dma_semaphore, #tpu.memory_space<semaphore_mem>>) src(%arg7 : memref<200x64xf32, #tpu.memory_space<vmem>>) dst(%dma_wait3A_570 : memref<200x64xf32, #tpu.memory_space<hbm>>)
        %jit3A_571 = arith.constant 1 : i32
        %div3A_572 = arith.divsi %add3A_503, %jit3A_571 : i32
        %sign3A_573 = arith.constant 0 : i32
        %sign3A_574 = arith.cmpi sgt, %add3A_503, %sign3A_573 : i32
        %sign3A_575 = arith.extui %sign3A_574 : i1 to i32
        %sign3A_576 = arith.constant 0 : i32
        %sign3A_577 = arith.cmpi slt, %add3A_503, %sign3A_576 : i32
        %sign3A_578 = arith.extui %sign3A_577 : i1 to i32
        %sign3A_579 = arith.subi %sign3A_575, %sign3A_578 : i32
        %sign3A_580 = arith.constant 0 : i32
        %sign3A_581 = arith.cmpi sgt, %jit3A_571, %sign3A_580 : i32
        %sign3A_582 = arith.extui %sign3A_581 : i1 to i32
        %sign3A_583 = arith.constant 0 : i32
        %sign3A_584 = arith.cmpi slt, %jit3A_571, %sign3A_583 : i32
        %sign3A_585 = arith.extui %sign3A_584 : i1 to i32
        %sign3A_586 = arith.subi %sign3A_582, %sign3A_585 : i32
        %ne3A_587 = arith.cmpi ne, %sign3A_579, %sign3A_586 : i32
        %rem3A_588 = arith.remsi %add3A_503, %jit3A_571 : i32
        %ne3A_589 = arith.constant 0 : i32
        %ne3A_590 = arith.cmpi ne, %rem3A_588, %ne3A_589 : i32
        %and3A_591 = arith.andi %ne3A_587, %ne3A_590 : i1
        %sub3A_592 = arith.constant 1 : i32
        %sub3A_593 = arith.subi %div3A_572, %sub3A_592 : i32
        %select_n3A_594 = arith.select %and3A_591, %sub3A_593, %div3A_572 : i32
        %jit3A_595 = arith.constant 1 : i32
        %eq3A_596 = arith.constant 0 : i32
        %eq3A_597 = arith.cmpi eq, %jit3A_595, %eq3A_596 : i32
        %jit3A_598 = arith.constant 1 : i32
        %select_n3A_599 = arith.select %eq3A_597, %jit3A_598, %jit3A_595 : i32
        %rem3A_600 = arith.remsi %add3A_503, %select_n3A_599 : i32
        %ne3A_601 = arith.constant 0 : i32
        %ne3A_602 = arith.cmpi ne, %rem3A_600, %ne3A_601 : i32
        %lt3A_603 = arith.constant 0 : i32
        %lt3A_604 = arith.cmpi slt, %rem3A_600, %lt3A_603 : i32
        %lt3A_605 = arith.constant 0 : i32
        %lt3A_606 = arith.cmpi slt, %select_n3A_599, %lt3A_605 : i32
        %ne3A_607 = arith.xori %lt3A_604, %lt3A_606 : i1
        %and3A_608 = arith.andi %ne3A_607, %ne3A_602 : i1
        %add3A_609 = arith.addi %rem3A_600, %select_n3A_599 : i32
        %select_n3A_610 = arith.select %and3A_608, %add3A_609, %rem3A_600 : i32
        %mul3A_611 = arith.constant 200 : i32
        %mul3A_612 = arith.muli %select_n3A_610, %mul3A_611 : i32
        %dma_start3A_613 = tpu.memref_slice %arg5[%select_n3A_594, %mul3A_612] : memref<128x200xi32, #tpu.memory_space<vmem>> -> memref<1x200xi32, #tpu.memory_space<vmem>>
        %dma_start3A_614 = tpu.memref_squeeze %dma_start3A_613 : memref<1x200xi32, #tpu.memory_space<vmem>> -> memref<200xi32, #tpu.memory_space<vmem>>
        %dma_start3A_615 = arith.constant 0 : i32
        %dma_start3A_616 = arith.constant 0 : i32
        %dma_start3A_617 = tpu.memref_slice %arg3[%dma_start3A_615, %dma_start3A_616] : memref<1000000x64xf32, #tpu.memory_space<hbm>> -> memref<1000000x64xf32, #tpu.memory_space<hbm>>
        tpu.enqueue_indirect_dma source(%dma_start3A_617 : memref<1000000x64xf32, #tpu.memory_space<hbm>>) target(%arg7 : memref<200x64xf32, #tpu.memory_space<vmem>>) offsets(%dma_start3A_614 : memref<200xi32, #tpu.memory_space<vmem>>) semaphore(%arg11 : memref<!tpu.dma_semaphore, #tpu.memory_space<semaphore_mem>>)
      } else {
      }
      %lt3A_512 = arith.constant 4 : i32
      %lt3A_513 = arith.cmpi slt, %add3A_503, %lt3A_512 : i32
      %lt3A_514 = arith.constant 128 : i32
      %lt3A_515 = arith.cmpi slt, %add3A_503, %lt3A_514 : i32
      %and3A_516 = arith.andi %lt3A_513, %lt3A_515 : i1
      %convert_element_type3A_517 = arith.extui %and3A_516 : i1 to i32
      %cond3A_518 = arith.constant 0 : i32
      %cond3A_519 = arith.cmpi ne, %convert_element_type3A_517, %cond3A_518 : i32
      scf.if %cond3A_519 {
        %jit3A_520 = arith.constant 1 : i32
        %div3A_521 = arith.divsi %add3A_503, %jit3A_520 : i32
        %sign3A_522 = arith.constant 0 : i32
        %sign3A_523 = arith.cmpi sgt, %add3A_503, %sign3A_522 : i32
        %sign3A_524 = arith.extui %sign3A_523 : i1 to i32
        %sign3A_525 = arith.constant 0 : i32
        %sign3A_526 = arith.cmpi slt, %add3A_503, %sign3A_525 : i32
        %sign3A_527 = arith.extui %sign3A_526 : i1 to i32
        %sign3A_528 = arith.subi %sign3A_524, %sign3A_527 : i32
        %sign3A_529 = arith.constant 0 : i32
        %sign3A_530 = arith.cmpi sgt, %jit3A_520, %sign3A_529 : i32
        %sign3A_531 = arith.extui %sign3A_530 : i1 to i32
        %sign3A_532 = arith.constant 0 : i32
        %sign3A_533 = arith.cmpi slt, %jit3A_520, %sign3A_532 : i32
        %sign3A_534 = arith.extui %sign3A_533 : i1 to i32
        %sign3A_535 = arith.subi %sign3A_531, %sign3A_534 : i32
        %ne3A_536 = arith.cmpi ne, %sign3A_528, %sign3A_535 : i32
        %rem3A_537 = arith.remsi %add3A_503, %jit3A_520 : i32
        %ne3A_538 = arith.constant 0 : i32
        %ne3A_539 = arith.cmpi ne, %rem3A_537, %ne3A_538 : i32
        %and3A_540 = arith.andi %ne3A_536, %ne3A_539 : i1
        %sub3A_541 = arith.constant 1 : i32
        %sub3A_542 = arith.subi %div3A_521, %sub3A_541 : i32
        %select_n3A_543 = arith.select %and3A_540, %sub3A_542, %div3A_521 : i32
        %jit3A_544 = arith.constant 1 : i32
        %eq3A_545 = arith.constant 0 : i32
        %eq3A_546 = arith.cmpi eq, %jit3A_544, %eq3A_545 : i32
        %jit3A_547 = arith.constant 1 : i32
        %select_n3A_548 = arith.select %eq3A_546, %jit3A_547, %jit3A_544 : i32
        %rem3A_549 = arith.remsi %add3A_503, %select_n3A_548 : i32
        %ne3A_550 = arith.constant 0 : i32
        %ne3A_551 = arith.cmpi ne, %rem3A_549, %ne3A_550 : i32
        %lt3A_552 = arith.constant 0 : i32
        %lt3A_553 = arith.cmpi slt, %rem3A_549, %lt3A_552 : i32
        %lt3A_554 = arith.constant 0 : i32
        %lt3A_555 = arith.cmpi slt, %select_n3A_548, %lt3A_554 : i32
        %ne3A_556 = arith.xori %lt3A_553, %lt3A_555 : i1
        %and3A_557 = arith.andi %ne3A_556, %ne3A_551 : i1
        %add3A_558 = arith.addi %rem3A_549, %select_n3A_548 : i32
        %select_n3A_559 = arith.select %and3A_557, %add3A_558, %rem3A_549 : i32
        %mul3A_560 = arith.constant 200 : i32
        %mul3A_561 = arith.muli %select_n3A_559, %mul3A_560 : i32
        %dma_start3A_562 = tpu.memref_slice %arg5[%select_n3A_543, %mul3A_561] : memref<128x200xi32, #tpu.memory_space<vmem>> -> memref<1x200xi32, #tpu.memory_space<vmem>>
        %dma_start3A_563 = tpu.memref_squeeze %dma_start3A_562 : memref<1x200xi32, #tpu.memory_space<vmem>> -> memref<200xi32, #tpu.memory_space<vmem>>
        %dma_start3A_564 = arith.constant 0 : i32
        %dma_start3A_565 = arith.constant 0 : i32
        %dma_start3A_566 = tpu.memref_slice %arg3[%dma_start3A_564, %dma_start3A_565] : memref<1000000x64xf32, #tpu.memory_space<hbm>> -> memref<1000000x64xf32, #tpu.memory_space<hbm>>
        tpu.enqueue_indirect_dma source(%dma_start3A_566 : memref<1000000x64xf32, #tpu.memory_space<hbm>>) target(%arg7 : memref<200x64xf32, #tpu.memory_space<vmem>>) offsets(%dma_start3A_563 : memref<200xi32, #tpu.memory_space<vmem>>) semaphore(%arg11 : memref<!tpu.dma_semaphore, #tpu.memory_space<semaphore_mem>>)
      } else {
      }
    }
    %scan3A_20 = arith.constant 32 : i32
    %add3A_21 = arith.constant 124 : i32
    %add3A_22 = arith.addi %mul3A_2, %add3A_21 : i32
    %dma_wait3A = arith.constant 0 : i32
    %dma_wait3A_23 = arith.constant 0 : i32
    %dma_wait3A_24 = tpu.memref_slice %arg4[%add3A_22, %dma_wait3A, %dma_wait3A_23] : memref<4096x200x64xf32, #tpu.memory_space<hbm>> -> memref<1x200x64xf32, #tpu.memory_space<hbm>>
    %dma_wait3A_25 = tpu.memref_squeeze %dma_wait3A_24 : memref<1x200x64xf32, #tpu.memory_space<hbm>> -> memref<200x64xf32, #tpu.memory_space<hbm>>
    %dma_wait3A_26 = arith.constant 0 : i32
    %dma_wait3A_27 = arith.constant 0 : i32
    %dma_wait3A_28 = tpu.memref_slice %arg4[%add3A_22, %dma_wait3A_26, %dma_wait3A_27] : memref<4096x200x64xf32, #tpu.memory_space<hbm>> -> memref<1x200x64xf32, #tpu.memory_space<hbm>>
    %dma_wait3A_29 = tpu.memref_squeeze %dma_wait3A_28 : memref<1x200x64xf32, #tpu.memory_space<hbm>> -> memref<200x64xf32, #tpu.memory_space<hbm>>
    tpu.wait_dma2 semaphore(%arg14 : memref<!tpu.dma_semaphore, #tpu.memory_space<semaphore_mem>>) src(%arg6 : memref<200x64xf32, #tpu.memory_space<vmem>>) dst(%dma_wait3A_29 : memref<200x64xf32, #tpu.memory_space<hbm>>)
    %add3A_30 = arith.constant 125 : i32
    %add3A_31 = arith.addi %mul3A_2, %add3A_30 : i32
    %dma_wait3A_32 = arith.constant 0 : i32
    %dma_wait3A_33 = arith.constant 0 : i32
    %dma_wait3A_34 = tpu.memref_slice %arg4[%add3A_31, %dma_wait3A_32, %dma_wait3A_33] : memref<4096x200x64xf32, #tpu.memory_space<hbm>> -> memref<1x200x64xf32, #tpu.memory_space<hbm>>
    %dma_wait3A_35 = tpu.memref_squeeze %dma_wait3A_34 : memref<1x200x64xf32, #tpu.memory_space<hbm>> -> memref<200x64xf32, #tpu.memory_space<hbm>>
    %dma_wait3A_36 = arith.constant 0 : i32
    %dma_wait3A_37 = arith.constant 0 : i32
    %dma_wait3A_38 = tpu.memref_slice %arg4[%add3A_31, %dma_wait3A_36, %dma_wait3A_37] : memref<4096x200x64xf32, #tpu.memory_space<hbm>> -> memref<1x200x64xf32, #tpu.memory_space<hbm>>
    %dma_wait3A_39 = tpu.memref_squeeze %dma_wait3A_38 : memref<1x200x64xf32, #tpu.memory_space<hbm>> -> memref<200x64xf32, #tpu.memory_space<hbm>>
    tpu.wait_dma2 semaphore(%arg15 : memref<!tpu.dma_semaphore, #tpu.memory_space<semaphore_mem>>) src(%arg7 : memref<200x64xf32, #tpu.memory_space<vmem>>) dst(%dma_wait3A_39 : memref<200x64xf32, #tpu.memory_space<hbm>>)
    %add3A_40 = arith.constant 126 : i32
    %add3A_41 = arith.addi %mul3A_2, %add3A_40 : i32
    %dma_wait3A_42 = arith.constant 0 : i32
    %dma_wait3A_43 = arith.constant 0 : i32
    %dma_wait3A_44 = tpu.memref_slice %arg4[%add3A_41, %dma_wait3A_42, %dma_wait3A_43] : memref<4096x200x64xf32, #tpu.memory_space<hbm>> -> memref<1x200x64xf32, #tpu.memory_space<hbm>>
    %dma_wait3A_45 = tpu.memref_squeeze %dma_wait3A_44 : memref<1x200x64xf32, #tpu.memory_space<hbm>> -> memref<200x64xf32, #tpu.memory_space<hbm>>
    %dma_wait3A_46 = arith.constant 0 : i32
    %dma_wait3A_47 = arith.constant 0 : i32
    %dma_wait3A_48 = tpu.memref_slice %arg4[%add3A_41, %dma_wait3A_46, %dma_wait3A_47] : memref<4096x200x64xf32, #tpu.memory_space<hbm>> -> memref<1x200x64xf32, #tpu.memory_space<hbm>>
    %dma_wait3A_49 = tpu.memref_squeeze %dma_wait3A_48 : memref<1x200x64xf32, #tpu.memory_space<hbm>> -> memref<200x64xf32, #tpu.memory_space<hbm>>
    tpu.wait_dma2 semaphore(%arg16 : memref<!tpu.dma_semaphore, #tpu.memory_space<semaphore_mem>>) src(%arg8 : memref<200x64xf32, #tpu.memory_space<vmem>>) dst(%dma_wait3A_49 : memref<200x64xf32, #tpu.memory_space<hbm>>)
    %add3A_50 = arith.constant 127 : i32
    %add3A_51 = arith.addi %mul3A_2, %add3A_50 : i32
    %dma_wait3A_52 = arith.constant 0 : i32
    %dma_wait3A_53 = arith.constant 0 : i32
    %dma_wait3A_54 = tpu.memref_slice %arg4[%add3A_51, %dma_wait3A_52, %dma_wait3A_53] : memref<4096x200x64xf32, #tpu.memory_space<hbm>> -> memref<1x200x64xf32, #tpu.memory_space<hbm>>
    %dma_wait3A_55 = tpu.memref_squeeze %dma_wait3A_54 : memref<1x200x64xf32, #tpu.memory_space<hbm>> -> memref<200x64xf32, #tpu.memory_space<hbm>>
    %dma_wait3A_56 = arith.constant 0 : i32
    %dma_wait3A_57 = arith.constant 0 : i32
    %dma_wait3A_58 = tpu.memref_slice %arg4[%add3A_51, %dma_wait3A_56, %dma_wait3A_57] : memref<4096x200x64xf32, #tpu.memory_space<hbm>> -> memref<1x200x64xf32, #tpu.memory_space<hbm>>
    %dma_wait3A_59 = tpu.memref_squeeze %dma_wait3A_58 : memref<1x200x64xf32, #tpu.memory_space<hbm>> -> memref<200x64xf32, #tpu.memory_space<hbm>>
    tpu.wait_dma2 semaphore(%arg17 : memref<!tpu.dma_semaphore, #tpu.memory_space<semaphore_mem>>) src(%arg9 : memref<200x64xf32, #tpu.memory_space<vmem>>) dst(%dma_wait3A_59 : memref<200x64xf32, #tpu.memory_space<hbm>>)
    return
  }
}

</mosaic_0001>

<sc_bundles>
// kernel: _sc_gather.3.cloned.1.call-start
scs
__scs_entry_jumppad:
0x0: {  	(pc) =	sbr.rel $0x88, $3  }
0x1: {  	(tag) =	ssettag $0x0;
	lr =	simm.s32 $0x1  }
0x2: {  	[smem:$0x3F9F] =	sst lr;
	_ =	strace $0xD0000000  }
0x3: {  	_ = 	snop  }
0x4: {  	_ = 	snop  }
0x5: {  	_ = 	snop  }
0x6: {  	_ = 	snop  }
0x7: {  	_ = 	snop  }
__scs_overlays_trampoline_lowered:
0x8: {  	[smem:$0x3FAE] =	sst s0  }
0x9: {  	[smem:$0x3FAF] =	sst s1  }
0xa: {  	[smem:$0x3FB0] =	sst s2  }
0xb: {  	[smem:$0x3FB1] =	sst s3  }
0xc: {  	[smem:$0x3FB2] =	sst s4  }
0xd: {  	[smem:$0x3FB3] =	sst s5  }
0xe: {  	[smem:$0x3FB4] =	sst s6  }
0xf: {  	[smem:$0x3FB5] =	sst s7  }
0x10: {  	[smem:$0x3FB6] =	sst s8  }
0x11: {  	[smem:$0x3FB7] =	sst s9;
	s0 =	simm.s32 @!p0 $0x0  }
0x12: {  	s1 =	sld [smem:$0x3F9D];
	s0 =	simm.s32 @p0 $0x1  }
0x13: {  	[smem:$0x3FB8] =	sst s0;
	s0 =	simm.s32 @!p1 $0x0  }
0x14: {  	s2 =	sld [smem:$0x3F9C];
	s0 =	simm.s32 @p1 $0x1  }
0x15: {  	[smem:$0x3FB9] =	sst s0;
	s0 =	simm.s32 @!p2 $0x0  }
0x16: {  	s3 =	sld [smem:$0x3FDB];
	s0 =	simm.s32 @p2 $0x1  }
0x17: {  	s4 =	simm.s32 $0x1BF5;
	[smem:$0x3FBB] =	sst s0  }
0x18: {  	s0 =	sld [smem:$0x3F9E];
	_ =	swait.ge [sflag:s4], $0x0  }
0x19: {  	s7 =	sld [smem:$0x3F9F]  }
0x1a: {  	s8 =	sadd.s32 $0xFFFFE003, lr  }
0x1b: {  	s9 =	sadd.s32 $0xFFFFFEF7, lr;
	s5 =	simm.s32 $0xFFFFFFFF;
	p2 =	slt.u32 s8, $0xFFFFF086  }
0x1c: {  	p1 =	slt.u32 s9, $0xF7A;
	s5 =	simm.s32 @!p2 $0x0  }
0x1d: {  	s5 =	simm.s32 @p1 $0x1;
	p0 =	seq.s32 s7, s2  }
0x1e: {  	s7 =	smul.u32 @!p0 $0xF7A, s2;
	p2 =	seq.s32 @!p0 s5, $0x0  }
0x1f: {  	s9 =	smul.u32 $0xF7A, s1;
	s8 =	simm.s32 @!p0 $0x1BF5;
	p2 =	por !p2, p0  }
0x20: {  	[sflag:s8] =	ssyncset.s32 @!p0 $0xFFFFF086;
	s6 =	sadd.s32 @!p0 s3, s7;
	s7 =	simm.s32 @!p0 $0x108  }
0x21: {  	s3 =	sadd.s32 s3, s9;
	s6 =	sadd.s32 @!p0 $0x88, s6;
	s7 =	simm.s32 @p2 $0x1082  }
0x22: {  	[simem:s7], [sflag:s8] =	dma.local @!p0 [hbm:s6], $0xF7A  }
0x23: {  	s9 =	sor.u32 $0xD0000000, s2;
	s6 =	simm.s32 $0x108;
	_ =	swait.ge @!p0 [sflag:s8], $0x0  }
0x24: {  	s3 =	sadd.s32 $0x88, s3;
	s6 =	simm.s32 @!p1 $0x1082;
	[sflag:s4] =	ssyncset.s32 $0xFFFFF086  }
0x25: {  	[simem:s6], [sflag:s4] =	dma.local [hbm:s3], $0xF7A  }
0x26: {  	[smem:$0x3F9F] =	sst s1;
	(tag) =	ssettag s2;
	_ =	strace s9  }
0x27: {  	s1 =	sld [smem:$0x3FAF]  }
0x28: {  	s2 =	sld [smem:$0x3FB0]  }
0x29: {  	s4 =	sld [smem:$0x3FB2]  }
0x2a: {  	p0 =	seq.s32 s5, $0x0;
	s5 =	sld [smem:$0x3FB3]  }
0x2b: {  	s6 =	sld [smem:$0x3FB4]  }
0x2c: {  	s7 =	sld [smem:$0x3FB5]  }
0x2d: {  	s3 =	simm.s32 $0x108;
	s8 =	sld [smem:$0x3FB6]  }
0x2e: {  	s3 =	simm.s32 @!p0 $0x1082;
	s9 =	sld [smem:$0x3FB7]  }
0x2f: {  	lr =	sadd.s32 s0, s3;
	s0 =	sld [smem:$0x3FAE]  }
0x30: {  	s3 =	sld [smem:$0x3FB1]  }
0x31: {  	[smem:$0x3FBA] =	sst s10  }
0x32: {  	s10 =	sld [smem:$0x3FB8];
	_ =	sdelay $0x3  }
0x33: {  	p0 =	seq.s32 s10, $0x1;
	s10 =	sld [smem:$0x3FBA];
	_ =	sdelay $0x3  }
0x34: {  	[smem:$0x3FBA] =	sst s10  }
0x35: {  	s10 =	sld [smem:$0x3FB9];
	_ =	sdelay $0x3  }
0x36: {  	p1 =	seq.s32 s10, $0x1;
	s10 =	sld [smem:$0x3FBA];
	_ =	sdelay $0x3  }
0x37: {  	[smem:$0x3FBA] =	sst s10  }
0x38: {  	s10 =	sld [smem:$0x3FBB]  }
0x39: {  	_ = 	snop;
	(pc) =	sbr.ind lr, $3  }
0x3a: {  	_ = 	snop  }
0x3b: {  	_ = 	snop  }
0x3c: {  	p2 =	seq.s32 s10, $0x1;
	s10 =	sld [smem:$0x3FBA]  }
0x3d: {  	_ =	shalt  }
0x3e: {  	_ =	shalt  }
0x3f: {  	_ =	shalt  }
0x40: {  	_ =	shalt  }
0x41: {  	_ =	shalt  }
0x42: {  	_ =	shalt  }
0x43: {  	_ =	shalt  }
0x44: {  	_ =	shalt  }
0x45: {  	_ =	shalt  }
0x46: {  	_ =	shalt  }
0x47: {  	_ =	shalt  }
0x48: {  	_ =	shalt  }
0x49: {  	_ =	shalt  }
0x4a: {  	_ =	shalt  }
0x4b: {  	_ =	shalt  }
0x4c: {  	_ =	shalt  }
0x4d: {  	_ =	shalt  }
0x4e: {  	_ =	shalt  }
0x4f: {  	_ =	shalt  }
0x50: {  	_ =	shalt  }
0x51: {  	_ =	shalt  }
0x52: {  	_ =	shalt  }
0x53: {  	_ =	shalt  }
0x54: {  	_ =	shalt  }
0x55: {  	_ =	shalt  }
0x56: {  	_ =	shalt  }
0x57: {  	_ =	shalt  }
0x58: {  	_ =	shalt  }
0x59: {  	_ =	shalt  }
0x5a: {  	_ =	shalt  }
0x5b: {  	_ =	shalt  }
0x5c: {  	_ =	shalt  }
0x5d: {  	_ =	shalt  }
0x5e: {  	_ =	shalt  }
0x5f: {  	_ =	shalt  }
0x60: {  	_ =	shalt  }
0x61: {  	_ =	shalt  }
0x62: {  	_ =	shalt  }
0x63: {  	_ =	shalt  }
0x64: {  	_ =	shalt  }
0x65: {  	_ =	shalt  }
0x66: {  	_ =	shalt  }
0x67: {  	_ =	shalt  }
0x68: {  	_ =	shalt  }
0x69: {  	_ =	shalt  }
0x6a: {  	_ =	shalt  }
0x6b: {  	_ =	shalt  }
0x6c: {  	_ =	shalt  }
0x6d: {  	_ =	shalt  }
0x6e: {  	_ =	shalt  }
0x6f: {  	_ =	shalt  }
0x70: {  	_ =	shalt  }
0x71: {  	_ =	shalt  }
0x72: {  	_ =	shalt  }
0x73: {  	_ =	shalt  }
0x74: {  	_ =	shalt  }
0x75: {  	_ =	shalt  }
0x76: {  	_ =	shalt  }
0x77: {  	_ =	shalt  }
0x78: {  	_ =	shalt  }
0x79: {  	_ =	shalt  }
0x7a: {  	_ =	shalt  }
0x7b: {  	_ =	shalt  }
0x7c: {  	_ =	shalt  }
0x7d: {  	_ =	shalt  }
0x7e: {  	_ =	shalt  }
0x7f: {  	_ =	shalt  }
0x80: {  	_ =	shalt  }
0x81: {  	_ =	shalt  }
0x82: {  	_ =	shalt  }
0x83: {  	_ =	shalt  }
0x84: {  	_ =	shalt  }
0x85: {  	_ =	shalt  }
0x86: {  	_ =	shalt  }
0x87: {  	_ =	shalt  }
.Lfunc_end0:
.L_simem_size_0:
called_computation.1_lowered:
.L_overlay_start_0:
0x88: {  	s2 =	sld [smem:$0x3FD9]  }
0x89: {  	s3 =	sld [smem:$0x3FFE];
	_ =	sdelay $0x1  }
0x8a: {  	s1 =	srdreg.scid  }
0x8b: {  	s0 =	sand.u32 $0x1, s1  }
0x8c: {  	s17 =	sshll.u32 s0, $0xA;
	s2 =	sadd.s32 s3, s2  }
0x8d: {  	s2 =	sadd.s32 s2, s17  }
0x8e: {  	[smem:$0x3FC6] =	sst s2  }
0x8f: {  	_ = 	snop  }
0x90: {  	s2 =	sld [smem:$0x3FD0];
	(tm) =	ssettm $0x1  }
0x91: {  	s18 =	sld [smem:$0x3FFB];
	_ =	sdelay $0x3  }
0x92: {  	_ =	strace s18  }
0x93: {  	s3 =	sld [smem:$0x3FFC];
	_ =	sdelay $0x3  }
0x94: {  	_ =	strace s3  }
0x95: {  	s3 =	sld [smem:$0x3FFD];
	_ =	sdelay $0x3  }
0x96: {  	_ =	strace s3  }
0x97: {  	_ =	strace $0x8FFFFFFF  }
0x98: {  	s19 =	sld [smem:$0x3FDB];
	_ =	sdelay $0x1  }
0x99: {  	s4 =	simm.s32 $_scs_section_size  }
0x9a: {  	s5 =	simm.s32 $_size__tile_overlayer_lowered;
	s6 =	simm.s32 $_tile_overlayer_lowered  }
0x9b: {  	s22 =	simm.s32 $0x1BFF;
	s21 =	sshll.u32 s6, $0x1;
	s3 =	sadd.s32 s4, s19  }
0x9c: {  	s7 =	simm.s32 $0x0;
	s20 =	sshll.u32 s5, $0x1;
	s5 =	sadd.s32 s21, s3  }
0x9d: {  	[timem:s7], [sflag:s22] =	dma.local [hbm:s5], s20  }
0x9e: {  	_ =	swait.ge [sflag:s22], s20  }
0x9f: {  	s4 =	ssub.s32 $0x0, s20;
	[sflag:s22] =	ssyncset.done $0x0  }
0xa0: {  	[sflag:s22] =	ssyncadd.s32 s4;
	_ =	sdelay $0x1  }
0xa1: {  	s23 =	simm.s32 $0x1B8B  }
0xa2: {  	_ =	swait.ge [sflag:s23], $0x1  }
0xa3: {  	[sflag:s23] =	ssyncset.done $0x0  }
0xa4: {  	s25 =	simm.s32 $0x1B8E;
	s24 =	sld [smem:$0x3FFE];
	[sflag:s23] =	ssyncadd.s32 $0xFFFFFFFF  }
0xa5: {  	s26 =	simm.s32 $execute0_lowered;
	[smem:$0x3FD2] =	sst s25  }
0xa6: {  	s5 =	sshll.u32 s26, $0x1;
	_ =	strace $0x80000046;
	[dreg:$0x1] =	wrdreg $0xFFFFFFFF  }
0xa7: {  	s28 =	simm.s32 $_size_execute0_lowered;
	s3 =	sadd.s32 s3, s5;
	[dreg:$0x0] =	wrdreg $0x0  }
0xa8: {  	s5 =	sshll.u32 s28, $0x1;
	[dreg:$0x2] =	wrdreg s3  }
0xa9: {  	[dreg:$0x3] =	wrdreg s5  }
0xaa: {  	[dreg:$0x4] =	wrdreg $0xC0  }
0xab: {  	_ =	task [dreg:s7], $0x5FFFF  }
0xac: {  	[dreg:$0x1] =	wrdreg $0xFFFFFFFF  }
0xad: {  	[dreg:$0x0] =	wrdreg $0x60  }
0xae: {  	[dreg:$0x2] =	wrdreg s24  }
0xaf: {  	[dreg:$0x3] =	wrdreg s2  }
0xb0: {  	[dreg:$0x4] =	wrdreg $0x9  }
0xb1: {  	_ =	task.clear_ibuf [dreg:s7], $0x5FFFF;
	_ =	strace $0x90000046  }
0xb2: {  	s29 =	simm.s32 $0x9;
	_ =	strace $0x80000048  }
0xb3: {  	_ =	swait.ge [sflag:s29], $0x1  }
0xb4: {  	[sflag:s29] =	ssyncadd.s32 $0xFFFFFFFF  }
0xb5: {  	_ =	strace $0x90000048  }
0xb6: {  	_ =	sfence  }
0xb7: {  	s30 =	sld [smem:$0x0];
	_ =	sdelay $0x2  }
0xb8: {  	s31 =	sshll.u32 s1, $0xD;
	s1 =	sshrl.u32 s1, $0x2  }
0xb9: {  	s3 =	sand.u32 $0x4000, s31;
	s1 =	sadd.s32 s1, s30  }
0xba: {  	s0 =	sor.u32 s3, s0;
	s1 =	sshll.u32 s1, $0x11  }
0xbb: {  	s0 =	sor.u32 s1, s0  }
0xbc: {  	s0 =	sadd.s32 $0x8F2B, s0  }
0xbd: {  	[sflag:s0] =	ssyncadd.remote.s32 $0x1  }
0xbe: {  	_ =	sfence.sel $0xFFFF  }
0xbf: {  	[dreg:$0x0] =	wrdreg $0xFFFFFFFF;
	(pc) =	sbr.abs _section_cstart, $3  }
0xc0: {  	[dreg:$0x1] =	wrdreg $0xFFFFFFFF  }
0xc1: {  	_ =	task.clear_ibuf [dreg:s7], $0x2FFFF;
	_ =	strace $0x9FFFFFFF  }
0xc2: {  	(tm) =	ssettm $0x7FFFFFFF  }
0xc3: {  	_ =	shalt  }
tec
execute0_lowered:
.L_overlay_start_1:
0x0: {  	(tag) =	ssettag $0x1  }
0x1: {  	s1 =	srdreg.scid;
	s3 =	rddreg [dreg:$0x0]  }
0x2: {  	s0 =	stileid.u32;
	s5 =	rddreg [dreg:$0x1]  }
0x3: {  	s2 =	simm.s32 $0x0;
	s11 =	simm.s32 $0x9600;
	s12 =	simm.s32 $0x1  }
0x4: {  	s13 =	simm.s32 $0x2;
	s14 =	simm.s32 $0xFA00;
	s15 =	simm.s32 $0x3  }
0x5: {  	s16 =	simm.s32 $0xC800;
	s17 =	simm.s32 $0x4;
	s18 =	simm.s32 $0x5  }
0x6: {  	s19 =	simm.s32 $0x6;
	s20 =	simm.s32 $0x7;
	s4 =	sand.u32 $0x1, s1  }
0x7: {  	s6 =	sshll.u32 s0, $0x8;
	s10 =	smul.u32 $0x64000, s0;
	s7 =	sshll.u32 s4, $0x7  }
0x8: {  	s21 =	simm.s32 $0x8;
	s30 =	smul.u32 $0x32000, s4;
	s6 =	sor.u32 s7, s6  }
0x9: {  	s22 =	simm.s32 $0x0;
	s1 =	rddreg [dreg:$0x2];
	s7 =	smul.u32 $0x19, s6  }
0xa: {  	[smem:$0x7FF] =	sst s2;
	s8 =	ssub.s32 $0x2, s4;
	s6 =	smul.u32 $0x640, s6  }
.Ltmp0:
0xb: {  	_ =	strace $0x80000047;
	s9 =	sshrl.u32 s8, $0x1;
	(pc) =	sbr.rel .LBB2_1-.Ltmp0, $4  }
0xc: {  	s31 =	sadd.s32 s10, s5;
	s10 =	simm.s32 $0x6400;
	s8 =	ssub.s32 s8, s9  }
0xd: {  	s9 =	simm.s32 $0xC8;
	s7 =	sadd.s32 s7, s3;
	s6 =	sadd.s32 s6, s5  }
0xe: {  	s3 =	sadd.s32 $0xF42E00, s3;
	s4 =	sadd.s32 $0xA00, s7;
	s5 =	sadd.s32 $0x319C0, s6  }
0xf: {  	s6 =	smax.u32 s8, $0x1;
	s7 =	sadd.s32 s30, s31;
	s8 =	simm.s32 $0x9  }
.LBB2_4:
0x10: {  	_ =	swait.ge [sflag:s17], $0x3200  }
0x11: {  	[sflag:s17] =	ssyncset.done $0x0  }
0x12: {  	[sflag:s17] =	ssyncadd.s32 $0xFFFFCE00  }
0x13: {  	[hbm4b:s5+s2] =	stream.linear.scatter [tilespmem:s14], [sflag:$0x8], $0x3200, $0x38;
	[tilespmem:$0x12C00] =	vst v63  }
0x14: {  	_ =	swait.ge [sflag:s18], $0x3200  }
0x15: {  	[sflag:s18] =	ssyncset.done $0x0  }
0x16: {  	[sflag:s18] =	ssyncadd.s32 $0xFFFFCE00  }
0x17: {  	_ =	swait.ge [sflag:s19], $0x3200  }
0x18: {  	[sflag:s19] =	ssyncset.done $0x0  }
0x19: {  	s22 =	sadd.s32 $0x1, s22;
	[sflag:s19] =	ssyncadd.s32 $0xFFFFCE00  }
0x1a: {  	p0 =	sne.s32 s22, s6;
	_ =	swait.ge [sflag:s20], $0x3200  }
.Ltmp1:
0x1b: {  	[sflag:s20] =	ssyncset.done $0x0;
	(pc) =	sbr.rel @!p0 .LBB2_5-.Ltmp1, $4  }
0x1c: {  	[sflag:s20] =	ssyncadd.s32 $0xFFFFCE00  }
0x1d: {  	_ =	swait.ge [sflag:s21], $0x3200  }
0x1e: {  	[sflag:s21] =	ssyncset.done $0x0  }
0x1f: {  	[sflag:s21] =	ssyncadd.s32 $0xFFFFCE00  }
.LBB2_1:
0x20: {  	[tilespmem:s2], [sflag:$0x9] =	stream.linear.gather [hbm4b:s4+s2], $0x6400, $0x38;
	[tilespmem:$0x12C00] =	vst v63  }
0x21: {  	_ =	swait.ge [sflag:s8], $0x6400  }
0x22: {  	[sflag:s8] =	ssyncset.done $0x0  }
0x23: {  	[sflag:s8] =	ssyncadd.s32 $0xFFFF9C00  }
0x24: {  	[tilespmem:s10], [sflag:$0x1] =	stream.indirect.gather [hbm4b:s3+s9], $0x40, s2, s9, $0xb8;
	[tilespmem:$0x12C00] =	vst v63  }
0x25: {  	s23 =	simm.s32 $0xFFFFFFFC;
	s24 =	smov.u32 s7;
	s25 =	simm.s32 $0x0  }
0x26: {  	[tilespmem:s11], [sflag:$0x2] =	stream.indirect.gather [hbm4b:s3+s9], $0x40, s9, s9, $0xb8;
	[tilespmem:$0x12C00] =	vst v63  }
.LBB2_2:
0x27: {  	_ =	swait.ge [sflag:s12], $0x3200  }
0x28: {  	p0 =	sgt.u32 s23, $0x7B;
	[sflag:s12] =	ssyncset.done $0x0  }
0x29: {  	s26 =	simm.s32 @!p0 $0x7;
	[sflag:s12] =	ssyncadd.s32 $0xFFFFCE00  }
0x2a: {  	[hbm4b:s24+s2] =	stream.linear.scatter [tilespmem:s10], [sflag:$0x5], $0x3200, $0x38;
	[tilespmem:$0x12C00] =	vst v63  }
0x2b: {  	_ =	swait.ge @!p0 [sflag:s26], $0x3200  }
0x2c: {  	[sflag:s26] =	ssyncset.done @!p0 $0x0  }
0x2d: {  	[sflag:s26] =	ssyncadd.s32 @!p0 $0xFFFFCE00;
	s26 =	sshra.s32 @!p0 s25, $0x2  }
0x2e: {  	s28 =	simm.s32 @!p0 $0xC8;
	s29 =	simm.s32 @!p0 $0xC800;
	s26 =	sadd.s32 @!p0 $0x190, s26  }
0x2f: {  	[tilespmem:s29], [sflag:$0x3] =	stream.indirect.gather @!p0 [hbm4b:s3+s28], $0x40, s26, s28, $0xb8;
	[tilespmem:$0x12C00] =	vst v63  }
0x30: {  	p0 =	sne.s32 s25, $0x0  }
0x31: {  	s26 =	sshra.s32 @!p0 s25, $0x2  }
0x32: {  	s28 =	simm.s32 @!p0 $0xC8;
	s29 =	simm.s32 @!p0 $0xC800;
	s26 =	sadd.s32 @!p0 $0x190, s26  }
0x33: {  	[tilespmem:s29], [sflag:$0x3] =	stream.indirect.gather @!p0 [hbm4b:s3+s28], $0x40, s26, s28, $0xb8;
	[tilespmem:$0x12C00] =	vst v63  }
0x34: {  	_ =	swait.ge [sflag:s13], $0x3200  }
0x35: {  	p0 =	seq.s32 s25, $0x0;
	[sflag:s13] =	ssyncset.done $0x0  }
0x36: {  	s29 =	sadd.s32 $0x640, s24;
	s28 =	simm.s32 @!p0 $0x8;
	[sflag:s13] =	ssyncadd.s32 $0xFFFFCE00  }
0x37: {  	[hbm4b:s29+s2] =	stream.linear.scatter [tilespmem:s11], [sflag:$0x6], $0x3200, $0x38;
	[tilespmem:$0x12C00] =	vst v63  }
0x38: {  	_ =	swait.ge @!p0 [sflag:s28], $0x3200  }
0x39: {  	s26 =	sshra.s32 s25, $0x2;
	[sflag:s28] =	ssyncset.done @!p0 $0x0  }
0x3a: {  	s30 =	sadd.s32 $0x258, s26;
	[sflag:s28] =	ssyncadd.s32 @!p0 $0xFFFFCE00;
	p0 =	seq.s32 s25, $0x18380  }
0x3b: {  	[tilespmem:s14], [sflag:$0x4] =	stream.indirect.gather [hbm4b:s3+s9], $0x40, s30, s9, $0xb8;
	[tilespmem:$0x12C00] =	vst v63  }
.Ltmp2:
0x3c: {  	_ = 	snop;
	(pc) =	sbr.rel @p0 .LBB2_4-.Ltmp2, $4  }
0x3d: {  	_ =	swait.ge [sflag:s15], $0x3200  }
0x3e: {  	[sflag:s15] =	ssyncset.done $0x0  }
0x3f: {  	s31 =	sadd.s32 $0xC80, s24;
	[sflag:s15] =	ssyncadd.s32 $0xFFFFCE00  }
0x40: {  	[hbm4b:s31+s2] =	stream.linear.scatter [tilespmem:s16], [sflag:$0x7], $0x3200, $0x38;
	[tilespmem:$0x12C00] =	vst v63  }
0x41: {  	_ =	swait.ge [sflag:s18], $0x3200  }
0x42: {  	[sflag:s18] =	ssyncset.done $0x0  }
0x43: {  	s28 =	sadd.s32 $0x320, s26;
	[sflag:s18] =	ssyncadd.s32 $0xFFFFCE00  }
0x44: {  	[tilespmem:s10], [sflag:$0x1] =	stream.indirect.gather [hbm4b:s3+s9], $0x40, s28, s9, $0xb8;
	[tilespmem:$0x12C00] =	vst v63  }
0x45: {  	_ =	swait.ge [sflag:s17], $0x3200  }
0x46: {  	[sflag:s17] =	ssyncset.done $0x0  }
0x47: {  	s30 =	sadd.s32 $0x12C0, s24;
	[sflag:s17] =	ssyncadd.s32 $0xFFFFCE00  }
0x48: {  	[hbm4b:s30+s2] =	stream.linear.scatter [tilespmem:s14], [sflag:$0x8], $0x3200, $0x38;
	[tilespmem:$0x12C00] =	vst v63  }
.Ltmp3:
0x49: {  	_ = 	snop;
	(pc) =	sbr.rel .LBB2_2-.Ltmp3, $4  }
0x4a: {  	_ =	swait.ge [sflag:s19], $0x3200  }
0x4b: {  	s31 =	sadd.s32 $0x3E8, s26;
	s25 =	sadd.s32 $0xC80, s25;
	[sflag:s19] =	ssyncset.done $0x0  }
0x4c: {  	s24 =	sadd.s32 $0x1900, s24;
	s23 =	sadd.s32 $0x4, s23;
	[sflag:s19] =	ssyncadd.s32 $0xFFFFCE00  }
0x4d: {  	[tilespmem:s11], [sflag:$0x2] =	stream.indirect.gather [hbm4b:s3+s9], $0x40, s31, s9, $0xb8;
	[tilespmem:$0x12C00] =	vst v63  }
.LBB2_5:
0x4e: {  	_ =	sfence.sel $0x180000  }
0x4f: {  	[bflag:$0x0] =	sbarrier.arrive $0xFFFF  }
0x50: {  	p0 =	sne.s32 s0, $0x0;
	_ =	strace $0x90000047  }
0x51: {  	s0 =	sadd.s32 @!p0 $0x100000, s1;
	[bflag:$0x2] =	sbarrier.arrive $0xFFFF  }
0x52: {  	[sflag:s0] =	ssyncadd.tile.s32 @!p0 $0x1;
	_ =	shalt  }
.Lfunc_end2:
_tile_overlayer_lowered:
.L_overlay_start_2:
0x53: {  	(tag) =	ssettag $0x2  }
0x54: {  	s0 =	rddreg [dreg:$0x0];
	s2 =	stileid.u32  }
0x55: {  	s1 =	rddreg [dreg:$0x1];
	p0 =	sne.s32 s2, $0x0  }
0x56: {  	s3 =	rddreg [dreg:$0x2];
	[bflag:$0x3] =	sbarrier.arrive $0xFFFF;
	s2 =	simm.s32 @!p0 $0x1C09  }
0x57: {  	[timem:s3], [sflag:s2] =	dma.local @!p0 [hbm:s0], s1  }
0x58: {  	s0 =	simm.s32 @!p0 $0x9  }
0x59: {  	_ =	swait.ge @!p0 [sflag:s0], s1  }
0x5a: {  	s1 =	ssub.s32 @!p0 $0x0, s1;
	[sflag:s0] =	ssyncset.done @!p0 $0x0  }
0x5b: {  	[sflag:s0] =	ssyncadd.s32 @!p0 s1  }
0x5c: {  	[bflag:$0x3] =	sbarrier.arrive $0xFFFF  }
0x5d: {  	_ =	shalt  }

// kernel: sparse-core-data-format-call.cloned.1.call-start
scs
called_computation_lowered:
.L_overlay_start_0:
0x0: {  	s2 =	sld [smem:$0x3FD9]  }
0x1: {  	s3 =	sld [smem:$0x3FFE];
	_ =	sdelay $0x1  }
0x2: {  	s1 =	srdreg.scid  }
0x3: {  	s0 =	sand.u32 $0x1, s1  }
0x4: {  	s18 =	sshll.u32 s0, $0xA;
	s2 =	sadd.s32 s3, s2  }
0x5: {  	s2 =	sadd.s32 s2, s18  }
0x6: {  	[smem:$0x3FC6] =	sst s2  }
0x7: {  	_ = 	snop  }
0x8: {  	s2 =	sld [smem:$0x3FD0];
	(tm) =	ssettm $0x1  }
0x9: {  	s19 =	sld [smem:$0x3FFB];
	_ =	sdelay $0x3  }
0xa: {  	_ =	strace s19  }
0xb: {  	s3 =	sld [smem:$0x3FFC];
	_ =	sdelay $0x3  }
0xc: {  	_ =	strace s3  }
0xd: {  	s3 =	sld [smem:$0x3FFD];
	_ =	sdelay $0x3  }
0xe: {  	_ =	strace s3  }
0xf: {  	_ =	strace $0x8FFFFFFF  }
0x10: {  	s20 =	sld [smem:$0x3FDB];
	_ =	sdelay $0x1  }
0x11: {  	s4 =	simm.s32 $_scs_section_size  }
0x12: {  	s5 =	simm.s32 $_size__tile_overlayer_lowered;
	s6 =	simm.s32 $_tile_overlayer_lowered  }
0x13: {  	s23 =	simm.s32 $0x1BFF;
	s22 =	sshll.u32 s6, $0x1;
	s3 =	sadd.s32 s4, s20  }
0x14: {  	s7 =	simm.s32 $0x0;
	s21 =	sshll.u32 s5, $0x1;
	s5 =	sadd.s32 s22, s3  }
0x15: {  	[timem:s7], [sflag:s23] =	dma.local [hbm:s5], s21  }
0x16: {  	_ =	swait.ge [sflag:s23], s21  }
0x17: {  	s4 =	ssub.s32 $0x0, s21;
	[sflag:s23] =	ssyncset.done $0x0  }
0x18: {  	[sflag:s23] =	ssyncadd.s32 s4;
	_ =	sdelay $0x1  }
0x19: {  	s24 =	simm.s32 $0x1B8B  }
0x1a: {  	_ =	swait.ge [sflag:s24], $0x1  }
0x1b: {  	[sflag:s24] =	ssyncset.done $0x0  }
0x1c: {  	s26 =	simm.s32 $0x1B8E;
	s25 =	sld [smem:$0x3FFE];
	[sflag:s24] =	ssyncadd.s32 $0xFFFFFFFF  }
0x1d: {  	s27 =	simm.s32 $execute0_lowered;
	[smem:$0x3FD2] =	sst s26  }
0x1e: {  	s5 =	sshll.u32 s27, $0x1;
	_ =	strace $0x80000049;
	[dreg:$0x1] =	wrdreg $0xFFFFFFFF  }
0x1f: {  	s28 =	simm.s32 $_size_execute0_lowered;
	s3 =	sadd.s32 s3, s5;
	[dreg:$0x0] =	wrdreg $0x0  }
0x20: {  	s5 =	sshll.u32 s28, $0x1;
	[dreg:$0x2] =	wrdreg s3  }
0x21: {  	[dreg:$0x3] =	wrdreg s5  }
0x22: {  	[dreg:$0x4] =	wrdreg $0xC0  }
0x23: {  	_ =	task [dreg:s7], $0x5FFFF  }
0x24: {  	[dreg:$0x1] =	wrdreg $0xFFFFFFFF  }
0x25: {  	[dreg:$0x0] =	wrdreg $0x60  }
0x26: {  	[dreg:$0x2] =	wrdreg s25  }
0x27: {  	[dreg:$0x3] =	wrdreg s2  }
0x28: {  	[dreg:$0x4] =	wrdreg $0x9  }
0x29: {  	_ =	task.clear_ibuf [dreg:s7], $0x5FFFF;
	_ =	strace $0x90000049  }
0x2a: {  	s29 =	simm.s32 $0x9;
	_ =	strace $0x8000004B  }
0x2b: {  	_ =	swait.ge [sflag:s29], $0x1  }
0x2c: {  	[sflag:s29] =	ssyncadd.s32 $0xFFFFFFFF  }
0x2d: {  	_ =	strace $0x9000004B  }
0x2e: {  	_ =	sfence  }
0x2f: {  	s30 =	sld [smem:$0x0];
	_ =	sdelay $0x2  }
0x30: {  	s31 =	sshll.u32 s1, $0xD;
	s1 =	sshrl.u32 s1, $0x2  }
0x31: {  	s3 =	sand.u32 $0x4000, s31;
	s1 =	sadd.s32 s1, s30  }
0x32: {  	s0 =	sor.u32 s3, s0;
	s1 =	sshll.u32 s1, $0x11  }
0x33: {  	s0 =	sor.u32 s1, s0  }
0x34: {  	s0 =	sadd.s32 $0x8F2B, s0  }
0x35: {  	[sflag:s0] =	ssyncadd.remote.s32 $0x1  }
0x36: {  	_ =	sfence.sel $0xFFFF  }
0x37: {  	[dreg:$0x0] =	wrdreg $0xFFFFFFFF;
	(pc) =	sbr.abs _section_cstart, $3  }
0x38: {  	[dreg:$0x1] =	wrdreg $0xFFFFFFFF  }
0x39: {  	_ =	task.clear_ibuf [dreg:s7], $0x2FFFF;
	_ =	strace $0x9FFFFFFF  }
0x3a: {  	(tm) =	ssettm $0x7FFFFFFF  }
0x3b: {  	_ =	shalt  }
tec
execute0_lowered:
.L_overlay_start_1:
0x0: {  	(tag) =	ssettag $0x1  }
0x1: {  	s0 =	srdreg.scid  }
0x2: {  	s1 =	sshll.u32 s0, $0x4  }
0x3: {  	s0 =	stileid.u32;
	s1 =	sand.u32 $0x10, s1  }
0x4: {  	s1 =	sor.u32 s0, s1  }
0x5: {  	s6 =	rddreg [dreg:$0x0];
	s4 =	simm.s32 $0x1;
	s2 =	sshll.u32 s1, $0x7  }
0x6: {  	s7 =	simm.s32 $0x2;
	s12 =	simm.s32 $0x0;
	s1 =	ssub.s32 $0x1000, s2  }
0x7: {  	s8 =	simm.s32 $0x8000;
	s13 =	simm.s32 $0x0;
	s3 =	sand.u32 $0xF80, s1  }
0x8: {  	s9 =	simm.s32 $0x0;
	s5 =	sshrl.u32 s1, $0xC;
	p0 =	sne.s32 s3, $0x0  }
.Ltmp0:
0x9: {  	s1 =	rddreg [dreg:$0x2];
	s4 =	simm.s32 @!p0 $0x0;
	(pc) =	sbr.rel .LBB1_1-.Ltmp0, $4  }
0xa: {  	s11 =	simm.s32 $0x0;
	s3 =	rddreg [dreg:$0x1];
	s5 =	sadd.s32 s4, s5  }
0xb: {  	_ =	strace $0x8000004A;
	s4 =	simm.s32 $0x1;
	s5 =	smul.u32 $0xC8, s5  }
0xc: {  	s6 =	sadd.s32 $0xA00, s6;
	s10 =	smov.u32 s2;
	[sflag:s4] =	ssyncpa.u1 $0x0  }
0xd: {  	p0 =	por $0x0, $0x0;
	[sflag:s7] =	ssyncpa.u1 $0x0;
	s7 =	sor.u32 $0x1, s5  }
.LBB1_4:
0xe: {  	s16 =	sshll.u32 s13, $0x3;
	s17 =	sand.u32 $0x78, s13  }
0xf: {  	s30 =	sand.u32 $0x7E00, s13;
	s12 =	sshll.u32 s12, $0xF;
	s16 =	sand.u32 $0xC00, s16  }
0x10: {  	[tilespmem:s15+$0x810 ss:$0x81] =	vst.msk $0xffff, v2;
	s31 =	sand.u32 $0x7, s13;
	s16 =	sor.u32 s17, s16;
	s17 =	sadd.s32 s3, s30  }
0x11: {  	[tilespmem:s15+$0x1020 ss:$0x81] =	vst.msk $0xffff, v0;
	s13 =	sshll.u32 s31, $0x12;
	s12 =	sadd.s32 s12, s17;
	s16 =	sshrl.u32 s16, $0x3  }
0x12: {  	[tilespmem:s15+$0x0 ss:$0x81] =	vst.msk $0xffff, v1;
	s13 =	sor.u32 $0x400, s13;
	s12 =	sadd.s32 s16, s12  }
0x13: {  	[hbm4b:s12+s13] =	stream.strided.scatter [tilespmem:s14], [sflag:$0x2], $0x2000, s8, s13, $0x20;
	[tilespmem:$0x8080] =	vst v63  }
.LBB1_5:
0x14: {  	s14 =	sadd.s32 $0x1, s9  }
0x15: {  	s12 =	sadd.s32 $0x1000, s10;
	s16 =	smov.u32 s10;
	p2 =	sgt.s32 s14, $0xC7  }
0x16: {  	s16 =	smov.u32 @p2 s12  }
0x17: {  	s14 =	simm.s32 @p2 $0x0;
	p2 =	sgt.s32 s16, $0xFFF  }
0x18: {  	s16 =	smov.u32 @p2 s2;
	p2 =	sne.s32 s11, s7  }
.Ltmp1:
0x19: {  	p1 =	slt.u32 s11, $0x2;
	(pc) =	sbr.rel @!p2 .LBB1_6-.Ltmp1, $4  }
0x1a: {  	s15 =	simm.s32 @!p1 $0x2  }
0x1b: {  	s13 =	smov.u32 s10;
	p0 =	por !p0, !p0;
	_ =	swait.ge @!p1 [sflag:s15], $0x2000  }
0x1c: {  	s12 =	smov.u32 s9;
	[sflag:s15] =	ssyncset.done @!p1 $0x0;
	s9 =	smov.u32 s14  }
0x1d: {  	s11 =	sadd.s32 $0x1, s11;
	[sflag:s15] =	ssyncadd.s32 @!p1 $0xFFFFE000;
	s10 =	smov.u32 s16  }
.LBB1_1:
0x1e: {  	p1 =	sge.u32 s11, s5  }
0x1f: {  	s14 =	sand.u32 @!p1 $0x1FFFFFF, s9  }
0x20: {  	s15 =	smulhi.u32 @!p1 $0x147AE15, s14;
	_ =	sdelay $0x1  }
0x21: {  	s15 =	smul.u32 @!p1 $0xC8, s15  }
0x22: {  	s16 =	sxor.u32 @!p1 $0xFFFFFFFF, s11;
	s17 =	smul.u32 @!p1 $0xC80, s10  }
0x23: {  	s31 =	sadd.s32 $0xFFFFFFFF, s11;
	s16 =	sshll.u32 @!p1 s16, $0xD;
	s14 =	ssub.s32 @!p1 s14, s15  }
0x24: {  	s15 =	sand.u32 @!p1 $0x2000, s16;
	s16 =	sadd.s32 @!p1 s6, s17;
	s14 =	sshll.u32 @!p1 s14, $0x4  }
0x25: {  	s17 =	simm.s32 @!p1 $0x6400;
	s14 =	sadd.s32 @!p1 s14, s16;
	s16 =	simm.s32 @!p1 $0x40  }
0x26: {  	[tilespmem:s15], [sflag:$0x1] =	stream.strided.gather @!p1 [hbm4b:s14+s16], $0x2000, s17, s16, $0x38;
	[tilespmem:$0x8080] =	vst v63  }
0x27: {  	p1 =	sge.u32 s31, s5  }
.Ltmp2:
0x28: {  	_ = 	snop;
	(pc) =	sbr.rel @p1 .LBB1_5-.Ltmp2, $1  }
0x29: {  	_ =	sdelay $0x3  }
0x2a: {  	s14 =	simm.s32 $0x1  }
0x2b: {  	_ =	swait.ge [sflag:s4], $0x2000;
	s14 =	simm.s32 @!p0 $0x0  }
0x2c: {  	[sflag:s4] =	ssyncset.done $0x0;
	s15 =	sshll.u32 s14, $0xD  }
0x2d: {  	[sflag:s4] =	ssyncadd.s32 $0xFFFFE000;
	s18 =	sor.u32 $0x20, s15  }
0x2e: {  	s14 =	smul.u32 $0x8100, s14;
	v3 =	vld [tilespmem:s18+$0x10]  }
0x2f: {  	s30 =	sand.u32 $0x1, s11;
	v2 =	vld [tilespmem:s18+$0xFFFFFFF0]  }
0x30: {  	s15 =	smul.u32 $0x8100, s30;
	s14 =	sshrl.u32 s14, $0x2;
	v0 =	vld [tilespmem:s18+$0x0]  }
0x31: {  	v1 =	vld [tilespmem:s18+$0xFFFFFFE0];
	s16 =	sor.u32 $0x4000, s14  }
0x32: {  	s31 =	sshrl.u32 s15, $0x2;
	s15 =	sadd.s32 $0x0, s16  }
0x33: {  	s17 =	simm.s32 $0x4;
	s18 =	sadd.s32 $0x40, s18;
	s14 =	sor.u32 $0x4000, s31;
	[tilespmem:s15+$0x1830 ss:$0x81] =	vst.msk $0xffff, v3  }
.LBB1_3:
0x34: {  	v3 =	vld [tilespmem:s18+$0x10];
	p1 =	sne.s32 s17, $0x1FC;
	[tilespmem:s15+$0x810 ss:$0x81] =	vst.msk $0xffff, v2;
	s19 =	smov.u32 s17;
	s17 =	sadd.s32 $0x4, s17  }
.Ltmp3:
0x35: {  	v2 =	vld [tilespmem:s18+$0xFFFFFFF0];
	[tilespmem:s15+$0x1020 ss:$0x81] =	vst.msk $0xffff, v0;
	(pc) =	sbr.rel @p1 .LBB1_3-.Ltmp3, $4  }
0x36: {  	v0 =	vld [tilespmem:s18+$0x0];
	[tilespmem:s15+$0x0 ss:$0x81] =	vst.msk $0xffff, v1  }
0x37: {  	s15 =	sshra.s32 s19, $0x2;
	v1 =	vld [tilespmem:s18+$0xFFFFFFE0]  }
0x38: {  	s15 =	sadd.s32 s15, s16  }
0x39: {  	s18 =	sadd.s32 $0x40, s18;
	[tilespmem:s15+$0x1830 ss:$0x81] =	vst.msk $0xffff, v3  }
.Ltmp4:
0x3a: {  	_ = 	snop;
	(pc) =	sbr.rel .LBB1_4-.Ltmp4, $1  }
0x3b: {  	_ =	sdelay $0x3  }
.LBB1_6:
0x3c: {  	_ =	sfence.sel $0x180000  }
0x3d: {  	s2 =	simm.s32 $0x1;
	[bflag:$0x0] =	sbarrier.arrive $0xFFFF  }
0x3e: {  	s31 =	simm.s32 $0x2;
	[sflag:s2] =	ssyncpa.u1 $0x1  }
0x3f: {  	[sflag:s31] =	ssyncpa.u1 $0x1  }
0x40: {  	p0 =	sne.s32 s0, $0x0;
	_ =	strace $0x9000004A  }
0x41: {  	s0 =	sadd.s32 @!p0 $0x100000, s1;
	[bflag:$0x2] =	sbarrier.arrive $0xFFFF  }
0x42: {  	[sflag:s0] =	ssyncadd.tile.s32 @!p0 $0x1;
	_ =	shalt  }
.Lfunc_end1:
_tile_overlayer_lowered:
.L_overlay_start_2:
0x43: {  	(tag) =	ssettag $0x2  }
0x44: {  	s0 =	rddreg [dreg:$0x0];
	s2 =	stileid.u32  }
0x45: {  	s1 =	rddreg [dreg:$0x1];
	p0 =	sne.s32 s2, $0x0  }
0x46: {  	s3 =	rddreg [dreg:$0x2];
	[bflag:$0x3] =	sbarrier.arrive $0xFFFF;
	s2 =	simm.s32 @!p0 $0x1C01  }
0x47: {  	[timem:s3], [sflag:s2] =	dma.local @!p0 [hbm:s0], s1  }
0x48: {  	s0 =	simm.s32 @!p0 $0x1  }
0x49: {  	_ =	swait.ge @!p0 [sflag:s0], s1  }
0x4a: {  	s1 =	ssub.s32 @!p0 $0x0, s1;
	[sflag:s0] =	ssyncset.done @!p0 $0x0  }
0x4b: {  	[sflag:s0] =	ssyncadd.s32 @!p0 s1  }
0x4c: {  	[bflag:$0x3] =	sbarrier.arrive $0xFFFF  }
0x4d: {  	_ =	shalt  }

</sc_bundles>
